<compile_context>
chip_gen: v7x
topology: tpu7x:2x2x1
jax: 0.10.2.dev20260603
libtpu: 0.0.44.dev20260713+nightly
codegen_flags: <defaults>
</compile_context>

<pallas_src>
import functools

import jax
import jax.numpy as jnp
from jax import lax
from jax.experimental import pallas as pl
from jax.experimental.pallas import tpu as pltpu
from jax.experimental.pallas import tpu_sc as plsc

N = 10000
NP = 10240
L = 128
NC = 2
NS = 16
NW = NC * NS
RPT = NP // NS
RB = 4
RC = RPT // 2
BLK = 2048

_P = jax.lax.Precision.HIGHEST


def _deg_call(dst3, zvec):
    TPW = dst3.shape[1]
    mesh = plsc.VectorSubcoreMesh(core_axis_name="c", subcore_axis_name="s")

    @functools.partial(
        pl.kernel,
        out_type=jax.ShapeDtypeStruct((NC, NP), jnp.float32),
        mesh=mesh,
        compiler_params=pltpu.CompilerParams(use_tc_tiling_on_sc=False),
        scratch_types=[
            pltpu.VMEM((TPW, L), jnp.int32),
            pltpu.VMEM((L,), jnp.float32),
            pltpu.VMEM((RPT,), jnp.float32),
            pltpu.VMEM_SHARED((NP,), jnp.float32),
            pltpu.SemaphoreType.DMA,
        ],
    )
    def deg_kernel(dst_hbm, zvec_hbm, out_hbm, dst_v, ones_v, rb_v, acc_sh, sem):
        c = lax.axis_index("c")
        s = lax.axis_index("s")
        w = c * NS + s
        LAG = 8
        pltpu.sync_copy(zvec_hbm, rb_v)
        pltpu.sync_copy(rb_v, acc_sh.at[pl.ds(s * RPT, RPT)])
        for k in range(L // 16):
            ones_v[pl.ds(k * 16, 16)] = jnp.full((16,), 1.0, jnp.float32)
        pltpu.sync_copy(dst_hbm.at[w], dst_v)
        plsc.subcore_barrier()

        def body(j, carry):
            @pl.when(j >= LAG)
            def _():
                pltpu.make_async_copy(ones_v, acc_sh.at[dst_v.at[0]], sem).wait()

            pltpu.async_copy(ones_v, acc_sh.at[dst_v.at[j]], sem, add=True)
            return carry

        lax.fori_loop(0, TPW, body, 0)
        for _ in range(min(LAG, TPW)):
            pltpu.make_async_copy(ones_v, acc_sh.at[dst_v.at[0]], sem).wait()
        plsc.subcore_barrier()
        pltpu.sync_copy(acc_sh.at[pl.ds(s * RPT, RPT)], rb_v)
        pltpu.sync_copy(rb_v, out_hbm.at[c, pl.ds(s * RPT, RPT)])

    return deg_kernel(dst3, zvec)


def _agg_call(hs, src3, dst3, zrows):
    D = hs.shape[1]
    TPW = src3.shape[1]
    mesh = plsc.VectorSubcoreMesh(core_axis_name="c", subcore_axis_name="s")

    @functools.partial(
        pl.kernel,
        out_type=jax.ShapeDtypeStruct((NC, NP, D), jnp.float32),
        mesh=mesh,
        compiler_params=pltpu.CompilerParams(use_tc_tiling_on_sc=False),
        scratch_types=[
            pltpu.VMEM((TPW, L), jnp.int32),
            pltpu.VMEM((TPW, L), jnp.int32),
            pltpu.VMEM((RB * L, D), jnp.float32),
            pltpu.VMEM((RC, D), jnp.float32),
            pltpu.VMEM_SHARED((NP, D), jnp.float32),
            pltpu.SemaphoreType.DMA,
            pltpu.SemaphoreType.DMA,
        ],
    )
    def agg_kernel(hs_hbm, src_hbm, dst_hbm, zrows_hbm, out_hbm,
                   src_v, dst_v, rows_v, big_v, acc_sh, gsem, ssem):
        c = lax.axis_index("c")
        s = lax.axis_index("s")
        w = c * NS + s
        tpw = TPW
        pltpu.sync_copy(zrows_hbm, big_v)
        for h in range(RPT // RC):
            pltpu.sync_copy(big_v, acc_sh.at[pl.ds(s * RPT + h * RC, RC)])
        pltpu.sync_copy(src_hbm.at[w], src_v)
        pltpu.sync_copy(dst_hbm.at[w], dst_v)
        plsc.subcore_barrier()

        for b in range(RB - 1):
            pltpu.async_copy(hs_hbm.at[src_v.at[b]],
                             rows_v.at[pl.ds(b * L, L)], gsem)

        def body(j, carry):
            slot = lax.rem(j, RB) * L
            nxt = j + RB - 1
            nslot = lax.rem(nxt, RB) * L

            @pl.when(j >= 1)
            def _():
                pltpu.make_async_copy(rows_v.at[pl.ds(0, L)],
                                      acc_sh.at[dst_v.at[0]], ssem).wait()

            @pl.when(nxt < tpw)
            def _():
                pltpu.async_copy(hs_hbm.at[src_v.at[nxt]],
                                 rows_v.at[pl.ds(nslot, L)], gsem)

            pltpu.make_async_copy(hs_hbm.at[src_v.at[j]],
                                  rows_v.at[pl.ds(slot, L)], gsem).wait()
            pltpu.async_copy(rows_v.at[pl.ds(slot, L)],
                             acc_sh.at[dst_v.at[j]], ssem, add=True)
            return carry

        lax.fori_loop(0, tpw, body, 0)
        pltpu.make_async_copy(rows_v.at[pl.ds(0, L)],
                              acc_sh.at[dst_v.at[0]], ssem).wait()
        plsc.subcore_barrier()
        for h in range(RPT // RC):
            pltpu.sync_copy(acc_sh.at[pl.ds(s * RPT + h * RC, RC)], big_v)
            pltpu.sync_copy(big_v, out_hbm.at[c, pl.ds(s * RPT + h * RC, RC)])

    return agg_kernel(hs, src3, dst3, zrows)


def _hs_body(x_ref, w1_ref, w2_ref, degt_ref, out_ref):
    wc = lax.dot_general(w2_ref[...], w1_ref[...], (((1,), (0,)), ((), ())),
                         precision=_P, preferred_element_type=jnp.float32)
    h = lax.dot_general(x_ref[...], wc, (((1,), (1,)), ((), ())),
                        precision=_P, preferred_element_type=jnp.float32)
    deg = jnp.sum(degt_ref[...], axis=1, keepdims=True) + 1.0
    out_ref[...] = h * lax.rsqrt(deg)


def _final_body(p0_ref, p1_ref, hs_ref, degt_ref, w2_ref, b1_ref, b2_ref, out_ref):
    deg = jnp.sum(degt_ref[...], axis=1, keepdims=True) + 1.0
    dinv = lax.rsqrt(deg)
    bc = lax.dot_general(b1_ref[...], w2_ref[...], (((1,), (1,)), ((), ())),
                         precision=_P, preferred_element_type=jnp.float32)
    out_ref[...] = dinv * (p0_ref[...] + p1_ref[...] + hs_ref[...]) + (bc + b2_ref[...])


def kernel(x, edge_index, W1, b1, W2, b2):
    D = W2.shape[0]
    NF = x.shape[1]
    E = edge_index.shape[1]
    EPW = ((E + NW * L - 1) // (NW * L)) * L
    EP = EPW * NW
    TPW = EPW // L
    EW = E // NW
    PW = EPW - EW
    kk = jnp.arange(PW, dtype=jnp.int32)
    ww = jnp.arange(NW, dtype=jnp.int32)[:, None]
    pad_src = (ww * 331 + kk[None, :] * 13) % N
    pad_dst = N + (ww * 7 + kk[None, :]) % (NP - N)
    src3 = jnp.concatenate(
        [edge_index[0].reshape(NW, EW), pad_src], axis=1).reshape(NW, TPW, L)
    dst3 = jnp.concatenate(
        [edge_index[1].reshape(NW, EW), pad_dst], axis=1).reshape(NW, TPW, L)

    zvec = jnp.zeros((RPT,), jnp.float32)
    zrows = jnp.zeros((RC, D), jnp.float32)

    deg2 = _deg_call(dst3, zvec)
    deg_t = deg2.T

    NR = x.shape[0]
    NB = NR // 5

    hs = pl.pallas_call(
        _hs_body,
        grid=(NR // NB,),
        in_specs=[
            pl.BlockSpec((NB, NF), lambda i: (i, 0)),
            pl.BlockSpec(W1.shape, lambda i: (0, 0)),
            pl.BlockSpec(W2.shape, lambda i: (0, 0)),
            pl.BlockSpec((NB, NC), lambda i: (i, 0)),
        ],
        out_specs=pl.BlockSpec((NB, D), lambda i: (i, 0)),
        out_shape=jax.ShapeDtypeStruct((NR, D), jnp.float32),
    )(x, W1, W2, deg_t)

    parts = _agg_call(hs, src3, dst3, zrows)

    out = pl.pallas_call(
        _final_body,
        grid=(NR // NB,),
        in_specs=[
            pl.BlockSpec((NB, D), lambda i: (i, 0)),
            pl.BlockSpec((NB, D), lambda i: (i, 0)),
            pl.BlockSpec((NB, D), lambda i: (i, 0)),
            pl.BlockSpec((NB, NC), lambda i: (i, 0)),
            pl.BlockSpec(W2.shape, lambda i: (0, 0)),
            pl.BlockSpec((1, W1.shape[1]), lambda i: (0, 0)),
            pl.BlockSpec((1, D), lambda i: (0, 0)),
        ],
        out_specs=pl.BlockSpec((NB, D), lambda i: (i, 0)),
        out_shape=jax.ShapeDtypeStruct((NR, D), jnp.float32),
    )(parts[0], parts[1], hs, deg_t, W2, b1.reshape(1, -1), b2.reshape(1, -1))

    return out

# --- scband reference (transcript-rebuilt; emitter-appended) ---
"""Pipeline reference for scband-snr-67164698575082 (READ-ONLY COPY).

The authoritative reference and input builder live on the scoring server;
editing this copy changes nothing except your own understanding.
"""

import jax, jax.numpy as jnp
import numpy as np

N = 10000
E = 320000
NFEAT = 128
NHID = 128
NCLASS = 64


def setup_inputs(seed: int = 0) -> dict:
    key = jax.random.key(seed)
    k1, k2, k3, k4, k5, k6 = jax.random.split(key, 6)
    x = jax.random.normal(k1, (N, NFEAT), dtype=jnp.float32)
    edge_index = jax.random.randint(k2, (2, E), 0, N, dtype=jnp.int32)
    # GCNConv parameters: linear weight [NHID, NFEAT] (no lin bias in PyG GCNConv),
    # conv bias [NHID]; fc: weight [NCLASS, NHID], bias [NCLASS]
    W1 = jax.random.normal(k3, (NHID, NFEAT), dtype=jnp.float32) * (1.0 / np.sqrt(NFEAT))
    b1 = jnp.zeros((NHID,), dtype=jnp.float32)
    W2 = jax.random.normal(k4, (NCLASS, NHID), dtype=jnp.float32) * (1.0 / np.sqrt(NHID))
    b2 = jax.random.normal(k5, (NCLASS,), dtype=jnp.float32) * 0.01
    return {"x": x, "edge_index": edge_index, "W1": W1, "b1": b1, "W2": W2, "b2": b2}


def reference(x, edge_index, W1, b1, W2, b2):
    # GCNConv with default add_self_loops=True, normalize=True:
    # out = D^{-1/2} (A + I) D^{-1/2} X W^T + b, then fc.
    n = x.shape[0]
    loop = jnp.arange(n, dtype=edge_index.dtype)
    src = jnp.concatenate([edge_index[0], loop])
    dst = jnp.concatenate([edge_index[1], loop])
    # degree computed over destination (col) as in PyG gcn_norm
    deg = jnp.zeros((n,), dtype=x.dtype).at[dst].add(1.0)
    dinv = jnp.where(deg > 0, jax.lax.rsqrt(deg), 0.0)
    norm = dinv[src] * dinv[dst]
    h = x @ W1.T
    msg = h[src] * norm[:, None]
    agg = jnp.zeros((n, h.shape[1]), dtype=x.dtype).at[dst].add(msg)
    agg = agg + b1
    out = agg @ W2.T + b2
    return out

if __name__ == "__main__":
    import jax
    _d = setup_inputs()
    print(jax.jit(kernel)(*tuple(_d.values())))

</pallas_src>

<mosaic_0001>
#map = affine_map<(d0, d1) -> (0, 0, 0)>
#map1 = affine_map<(d0, d1) -> (0)>
#map2 = affine_map<(d0, d1) -> (0, 0)>
module attributes {stable_mosaic.version = 14 : i64} {
  func.func @deg_kernel(%arg0: i32, %arg1: i32, %arg2: memref<32x79x128xi32, #tpu.memory_space<hbm>>, %arg3: memref<640xf32, #tpu.memory_space<hbm>>, %arg4: memref<2x10240xf32, #tpu.memory_space<hbm>>, %arg5: memref<79x128xi32, #tpu.memory_space<vmem>>, %arg6: memref<128xf32, #tpu.memory_space<vmem>>, %arg7: memref<640xf32, #tpu.memory_space<vmem>>, %arg8: memref<10240xf32, #tpu.memory_space<vmem_shared>>, %arg9: memref<!tpu.dma_semaphore, #tpu.memory_space<semaphore_mem>>) attributes {dimension_semantics = [#tpu.dimension_semantics<core_parallel>, #tpu.dimension_semantics<subcore_parallel>], iteration_bounds = array<i64: 2, 16>, scalar_prefetch = 0 : i64, scratch_operands = 5 : i64, tpu.core_type = #tpu.core_type<sc_vector_subcore>, window_params = [{transform_indices = #map}, {transform_indices = #map1}, {transform_indices = #map2}]} {
    %mul3A = arith.constant 16 : i32
    %mul3A_0 = arith.muli %arg0, %mul3A : i32
    %add3A = arith.addi %mul3A_0, %arg1 : i32
    "tpu.region"() ({
      %run_scoped3A = tpu.sem_alloc : memref<!tpu.dma_semaphore, #tpu.memory_space<semaphore_mem>>
      tpu.enqueue_dma source(%arg3 : memref<640xf32, #tpu.memory_space<hbm>>) target(%arg7 : memref<640xf32, #tpu.memory_space<vmem>>) target_semaphore(%run_scoped3A : memref<!tpu.dma_semaphore, #tpu.memory_space<semaphore_mem>>)
      tpu.wait_dma2 semaphore(%run_scoped3A : memref<!tpu.dma_semaphore, #tpu.memory_space<semaphore_mem>>) src(%arg3 : memref<640xf32, #tpu.memory_space<hbm>>) dst(%arg7 : memref<640xf32, #tpu.memory_space<vmem>>)
      tpu.yield
    }) : () -> ()
    %mul3A_1 = arith.constant 640 : i32
    %mul3A_2 = arith.muli %arg1, %mul3A_1 : i32
    "tpu.region"() ({
      %run_scoped3A = tpu.sem_alloc : memref<!tpu.dma_semaphore, #tpu.memory_space<semaphore_mem>>
      %dma_start3A = tpu.memref_slice %arg8[%mul3A_2] : memref<10240xf32, #tpu.memory_space<vmem_shared>> -> memref<640xf32, #tpu.memory_space<vmem_shared>>
      %dma_start3A_106 = tpu.memref_slice %arg8[%mul3A_2] : memref<10240xf32, #tpu.memory_space<vmem_shared>> -> memref<640xf32, #tpu.memory_space<vmem_shared>>
      tpu.enqueue_dma source(%arg7 : memref<640xf32, #tpu.memory_space<vmem>>) target(%dma_start3A_106 : memref<640xf32, #tpu.memory_space<vmem_shared>>) target_semaphore(%run_scoped3A : memref<!tpu.dma_semaphore, #tpu.memory_space<semaphore_mem>>)
      %dma_wait3A_107 = tpu.memref_slice %arg8[%mul3A_2] : memref<10240xf32, #tpu.memory_space<vmem_shared>> -> memref<640xf32, #tpu.memory_space<vmem_shared>>
      %dma_wait3A_108 = tpu.memref_slice %arg8[%mul3A_2] : memref<10240xf32, #tpu.memory_space<vmem_shared>> -> memref<640xf32, #tpu.memory_space<vmem_shared>>
      tpu.wait_dma2 semaphore(%run_scoped3A : memref<!tpu.dma_semaphore, #tpu.memory_space<semaphore_mem>>) src(%arg7 : memref<640xf32, #tpu.memory_space<vmem>>) dst(%dma_wait3A_108 : memref<640xf32, #tpu.memory_space<vmem_shared>>)
      tpu.yield
    }) : () -> ()
    %broadcast_in_dim3A = arith.constant 1.000000e+00 : f32
    %broadcast_in_dim3A_3 = vector.broadcast %broadcast_in_dim3A : f32 to vector<16xf32>
    %swap3A = arith.constant 0 : index
    %swap3A_4 = tpu.vector_load %arg6[%swap3A] {strides = array<i32>} : memref<128xf32, #tpu.memory_space<vmem>>, vector<16xf32>,
    %swap3A_5 = vector.shape_cast %swap3A_4 : vector<16xf32> to vector<16xf32>
    %swap3A_6 = vector.shape_cast %broadcast_in_dim3A_3 : vector<16xf32> to vector<16xf32>
    tpu.vector_store %arg6[%swap3A], %swap3A_6 {strides = array<i32>} : memref<128xf32, #tpu.memory_space<vmem>>, vector<16xf32>,
    %broadcast_in_dim3A_7 = arith.constant 1.000000e+00 : f32
    %broadcast_in_dim3A_8 = vector.broadcast %broadcast_in_dim3A_7 : f32 to vector<16xf32>
    %swap3A_9 = arith.constant 16 : index
    %swap3A_10 = tpu.vector_load %arg6[%swap3A_9] {strides = array<i32>} : memref<128xf32, #tpu.memory_space<vmem>>, vector<16xf32>,
    %swap3A_11 = vector.shape_cast %swap3A_10 : vector<16xf32> to vector<16xf32>
    %swap3A_12 = vector.shape_cast %broadcast_in_dim3A_8 : vector<16xf32> to vector<16xf32>
    tpu.vector_store %arg6[%swap3A_9], %swap3A_12 {strides = array<i32>} : memref<128xf32, #tpu.memory_space<vmem>>, vector<16xf32>,
    %broadcast_in_dim3A_13 = arith.constant 1.000000e+00 : f32
    %broadcast_in_dim3A_14 = vector.broadcast %broadcast_in_dim3A_13 : f32 to vector<16xf32>
    %swap3A_15 = arith.constant 32 : index
    %swap3A_16 = tpu.vector_load %arg6[%swap3A_15] {strides = array<i32>} : memref<128xf32, #tpu.memory_space<vmem>>, vector<16xf32>,
    %swap3A_17 = vector.shape_cast %swap3A_16 : vector<16xf32> to vector<16xf32>
    %swap3A_18 = vector.shape_cast %broadcast_in_dim3A_14 : vector<16xf32> to vector<16xf32>
    tpu.vector_store %arg6[%swap3A_15], %swap3A_18 {strides = array<i32>} : memref<128xf32, #tpu.memory_space<vmem>>, vector<16xf32>,
    %broadcast_in_dim3A_19 = arith.constant 1.000000e+00 : f32
    %broadcast_in_dim3A_20 = vector.broadcast %broadcast_in_dim3A_19 : f32 to vector<16xf32>
    %swap3A_21 = arith.constant 48 : index
    %swap3A_22 = tpu.vector_load %arg6[%swap3A_21] {strides = array<i32>} : memref<128xf32, #tpu.memory_space<vmem>>, vector<16xf32>,
    %swap3A_23 = vector.shape_cast %swap3A_22 : vector<16xf32> to vector<16xf32>
    %swap3A_24 = vector.shape_cast %broadcast_in_dim3A_20 : vector<16xf32> to vector<16xf32>
    tpu.vector_store %arg6[%swap3A_21], %swap3A_24 {strides = array<i32>} : memref<128xf32, #tpu.memory_space<vmem>>, vector<16xf32>,
    %broadcast_in_dim3A_25 = arith.constant 1.000000e+00 : f32
    %broadcast_in_dim3A_26 = vector.broadcast %broadcast_in_dim3A_25 : f32 to vector<16xf32>
    %swap3A_27 = arith.constant 64 : index
    %swap3A_28 = tpu.vector_load %arg6[%swap3A_27] {strides = array<i32>} : memref<128xf32, #tpu.memory_space<vmem>>, vector<16xf32>,
    %swap3A_29 = vector.shape_cast %swap3A_28 : vector<16xf32> to vector<16xf32>
    %swap3A_30 = vector.shape_cast %broadcast_in_dim3A_26 : vector<16xf32> to vector<16xf32>
    tpu.vector_store %arg6[%swap3A_27], %swap3A_30 {strides = array<i32>} : memref<128xf32, #tpu.memory_space<vmem>>, vector<16xf32>,
    %broadcast_in_dim3A_31 = arith.constant 1.000000e+00 : f32
    %broadcast_in_dim3A_32 = vector.broadcast %broadcast_in_dim3A_31 : f32 to vector<16xf32>
    %swap3A_33 = arith.constant 80 : index
    %swap3A_34 = tpu.vector_load %arg6[%swap3A_33] {strides = array<i32>} : memref<128xf32, #tpu.memory_space<vmem>>, vector<16xf32>,
    %swap3A_35 = vector.shape_cast %swap3A_34 : vector<16xf32> to vector<16xf32>
    %swap3A_36 = vector.shape_cast %broadcast_in_dim3A_32 : vector<16xf32> to vector<16xf32>
    tpu.vector_store %arg6[%swap3A_33], %swap3A_36 {strides = array<i32>} : memref<128xf32, #tpu.memory_space<vmem>>, vector<16xf32>,
    %broadcast_in_dim3A_37 = arith.constant 1.000000e+00 : f32
    %broadcast_in_dim3A_38 = vector.broadcast %broadcast_in_dim3A_37 : f32 to vector<16xf32>
    %swap3A_39 = arith.constant 96 : index
    %swap3A_40 = tpu.vector_load %arg6[%swap3A_39] {strides = array<i32>} : memref<128xf32, #tpu.memory_space<vmem>>, vector<16xf32>,
    %swap3A_41 = vector.shape_cast %swap3A_40 : vector<16xf32> to vector<16xf32>
    %swap3A_42 = vector.shape_cast %broadcast_in_dim3A_38 : vector<16xf32> to vector<16xf32>
    tpu.vector_store %arg6[%swap3A_39], %swap3A_42 {strides = array<i32>} : memref<128xf32, #tpu.memory_space<vmem>>, vector<16xf32>,
    %broadcast_in_dim3A_43 = arith.constant 1.000000e+00 : f32
    %broadcast_in_dim3A_44 = vector.broadcast %broadcast_in_dim3A_43 : f32 to vector<16xf32>
    %swap3A_45 = arith.constant 112 : index
    %swap3A_46 = tpu.vector_load %arg6[%swap3A_45] {strides = array<i32>} : memref<128xf32, #tpu.memory_space<vmem>>, vector<16xf32>,
    %swap3A_47 = vector.shape_cast %swap3A_46 : vector<16xf32> to vector<16xf32>
    %swap3A_48 = vector.shape_cast %broadcast_in_dim3A_44 : vector<16xf32> to vector<16xf32>
    tpu.vector_store %arg6[%swap3A_45], %swap3A_48 {strides = array<i32>} : memref<128xf32, #tpu.memory_space<vmem>>, vector<16xf32>,
    "tpu.region"() ({
      %run_scoped3A = tpu.sem_alloc : memref<!tpu.dma_semaphore, #tpu.memory_space<semaphore_mem>>
      %dma_start3A = arith.constant 0 : i32
      %dma_start3A_106 = arith.constant 0 : i32
      %dma_start3A_107 = tpu.memref_slice %arg2[%add3A, %dma_start3A, %dma_start3A_106] : memref<32x79x128xi32, #tpu.memory_space<hbm>> -> memref<1x79x128xi32, #tpu.memory_space<hbm>>
      %dma_start3A_108 = tpu.memref_squeeze %dma_start3A_107 : memref<1x79x128xi32, #tpu.memory_space<hbm>> -> memref<79x128xi32, #tpu.memory_space<hbm>>
      %dma_start3A_109 = arith.constant 0 : i32
      %dma_start3A_110 = arith.constant 0 : i32
      %dma_start3A_111 = tpu.memref_slice %arg2[%add3A, %dma_start3A_109, %dma_start3A_110] : memref<32x79x128xi32, #tpu.memory_space<hbm>> -> memref<1x79x128xi32, #tpu.memory_space<hbm>>
      %dma_start3A_112 = tpu.memref_squeeze %dma_start3A_111 : memref<1x79x128xi32, #tpu.memory_space<hbm>> -> memref<79x128xi32, #tpu.memory_space<hbm>>
      tpu.enqueue_dma source(%dma_start3A_112 : memref<79x128xi32, #tpu.memory_space<hbm>>) target(%arg5 : memref<79x128xi32, #tpu.memory_space<vmem>>) target_semaphore(%run_scoped3A : memref<!tpu.dma_semaphore, #tpu.memory_space<semaphore_mem>>)
      %dma_wait3A_113 = arith.constant 0 : i32
      %dma_wait3A_114 = arith.constant 0 : i32
      %dma_wait3A_115 = tpu.memref_slice %arg2[%add3A, %dma_wait3A_113, %dma_wait3A_114] : memref<32x79x128xi32, #tpu.memory_space<hbm>> -> memref<1x79x128xi32, #tpu.memory_space<hbm>>
      %dma_wait3A_116 = tpu.memref_squeeze %dma_wait3A_115 : memref<1x79x128xi32, #tpu.memory_space<hbm>> -> memref<79x128xi32, #tpu.memory_space<hbm>>
      %dma_wait3A_117 = arith.constant 0 : i32
      %dma_wait3A_118 = arith.constant 0 : i32
      %dma_wait3A_119 = tpu.memref_slice %arg2[%add3A, %dma_wait3A_117, %dma_wait3A_118] : memref<32x79x128xi32, #tpu.memory_space<hbm>> -> memref<1x79x128xi32, #tpu.memory_space<hbm>>
      %dma_wait3A_120 = tpu.memref_squeeze %dma_wait3A_119 : memref<1x79x128xi32, #tpu.memory_space<hbm>> -> memref<79x128xi32, #tpu.memory_space<hbm>>
      tpu.wait_dma2 semaphore(%run_scoped3A : memref<!tpu.dma_semaphore, #tpu.memory_space<semaphore_mem>>) src(%dma_wait3A_120 : memref<79x128xi32, #tpu.memory_space<hbm>>) dst(%arg5 : memref<79x128xi32, #tpu.memory_space<vmem>>)
      tpu.yield
    }) : () -> ()
    %barrier3A = arith.constant 0 : index
    tpu.barrier barrier_id(%barrier3A)
    %scan3A = arith.constant 0 : i32
    %scan3A_49 = arith.constant 0 : i32
    %scan3A_50 = arith.constant 79 : i32
    %scan3A_51 = arith.addi %scan3A_49, %scan3A_50 : i32
    %scan3A_52 = arith.constant 1 : i32
    scf.for %scan3A_106 = %scan3A_49 to %scan3A_51 step %scan3A_52  : i32 {
      %ge3A = arith.constant 8 : i32
      %ge3A_107 = arith.cmpi sge, %scan3A_106, %ge3A : i32
      %convert_element_type3A = arith.extui %ge3A_107 : i1 to i32
      %cond3A = arith.constant 0 : i32
      %cond3A_108 = arith.cmpi ne, %convert_element_type3A, %cond3A : i32
      scf.if %cond3A_108 {
        %dma_wait3A_113 = arith.constant 0 : i32
        %dma_wait3A_114 = arith.constant 0 : i32
        %dma_wait3A_115 = tpu.memref_slice %arg5[%dma_wait3A_113, %dma_wait3A_114] : memref<79x128xi32, #tpu.memory_space<vmem>> -> memref<1x128xi32, #tpu.memory_space<vmem>>
        %dma_wait3A_116 = tpu.memref_squeeze %dma_wait3A_115 : memref<1x128xi32, #tpu.memory_space<vmem>> -> memref<128xi32, #tpu.memory_space<vmem>>
        %dma_wait3A_117 = arith.constant 0 : i32
        %dma_wait3A_118 = tpu.memref_slice %arg8[%dma_wait3A_117] : memref<10240xf32, #tpu.memory_space<vmem_shared>> -> memref<10240xf32, #tpu.memory_space<vmem_shared>>
        tpu.wait_indirect_dma semaphore(%arg9 : memref<!tpu.dma_semaphore, #tpu.memory_space<semaphore_mem>>) src(%arg6 : memref<128xf32, #tpu.memory_space<vmem>>) dst(%dma_wait3A_118 : memref<10240xf32, #tpu.memory_space<vmem_shared>>)
      } else {
      }
      %dma_start3A = arith.constant 0 : i32
      %dma_start3A_109 = tpu.memref_slice %arg5[%scan3A_106, %dma_start3A] : memref<79x128xi32, #tpu.memory_space<vmem>> -> memref<1x128xi32, #tpu.memory_space<vmem>>
      %dma_start3A_110 = tpu.memref_squeeze %dma_start3A_109 : memref<1x128xi32, #tpu.memory_space<vmem>> -> memref<128xi32, #tpu.memory_space<vmem>>
      %dma_start3A_111 = arith.constant 0 : i32
      %dma_start3A_112 = tpu.memref_slice %arg8[%dma_start3A_111] : memref<10240xf32, #tpu.memory_space<vmem_shared>> -> memref<10240xf32, #tpu.memory_space<vmem_shared>>
      tpu.enqueue_indirect_dma source(%arg6 : memref<128xf32, #tpu.memory_space<vmem>>) target(%dma_start3A_112 : memref<10240xf32, #tpu.memory_space<vmem_shared>>) offsets(%dma_start3A_110 : memref<128xi32, #tpu.memory_space<vmem>>) semaphore(%arg9 : memref<!tpu.dma_semaphore, #tpu.memory_space<semaphore_mem>>) {add = true}
    }
    %scan3A_53 = arith.constant 79 : i32
    %dma_wait3A = arith.constant 0 : i32
    %dma_wait3A_54 = arith.constant 0 : i32
    %dma_wait3A_55 = tpu.memref_slice %arg5[%dma_wait3A, %dma_wait3A_54] : memref<79x128xi32, #tpu.memory_space<vmem>> -> memref<1x128xi32, #tpu.memory_space<vmem>>
    %dma_wait3A_56 = tpu.memref_squeeze %dma_wait3A_55 : memref<1x128xi32, #tpu.memory_space<vmem>> -> memref<128xi32, #tpu.memory_space<vmem>>
    %dma_wait3A_57 = arith.constant 0 : i32
    %dma_wait3A_58 = tpu.memref_slice %arg8[%dma_wait3A_57] : memref<10240xf32, #tpu.memory_space<vmem_shared>> -> memref<10240xf32, #tpu.memory_space<vmem_shared>>
    tpu.wait_indirect_dma semaphore(%arg9 : memref<!tpu.dma_semaphore, #tpu.memory_space<semaphore_mem>>) src(%arg6 : memref<128xf32, #tpu.memory_space<vmem>>) dst(%dma_wait3A_58 : memref<10240xf32, #tpu.memory_space<vmem_shared>>)
    %dma_wait3A_59 = arith.constant 0 : i32
    %dma_wait3A_60 = arith.constant 0 : i32
    %dma_wait3A_61 = tpu.memref_slice %arg5[%dma_wait3A_59, %dma_wait3A_60] : memref<79x128xi32, #tpu.memory_space<vmem>> -> memref<1x128xi32, #tpu.memory_space<vmem>>
    %dma_wait3A_62 = tpu.memref_squeeze %dma_wait3A_61 : memref<1x128xi32, #tpu.memory_space<vmem>> -> memref<128xi32, #tpu.memory_space<vmem>>
    %dma_wait3A_63 = arith.constant 0 : i32
    %dma_wait3A_64 = tpu.memref_slice %arg8[%dma_wait3A_63] : memref<10240xf32, #tpu.memory_space<vmem_shared>> -> memref<10240xf32, #tpu.memory_space<vmem_shared>>
    tpu.wait_indirect_dma semaphore(%arg9 : memref<!tpu.dma_semaphore, #tpu.memory_space<semaphore_mem>>) src(%arg6 : memref<128xf32, #tpu.memory_space<vmem>>) dst(%dma_wait3A_64 : memref<10240xf32, #tpu.memory_space<vmem_shared>>)
    %dma_wait3A_65 = arith.constant 0 : i32
    %dma_wait3A_66 = arith.constant 0 : i32
    %dma_wait3A_67 = tpu.memref_slice %arg5[%dma_wait3A_65, %dma_wait3A_66] : memref<79x128xi32, #tpu.memory_space<vmem>> -> memref<1x128xi32, #tpu.memory_space<vmem>>
    %dma_wait3A_68 = tpu.memref_squeeze %dma_wait3A_67 : memref<1x128xi32, #tpu.memory_space<vmem>> -> memref<128xi32, #tpu.memory_space<vmem>>
    %dma_wait3A_69 = arith.constant 0 : i32
    %dma_wait3A_70 = tpu.memref_slice %arg8[%dma_wait3A_69] : memref<10240xf32, #tpu.memory_space<vmem_shared>> -> memref<10240xf32, #tpu.memory_space<vmem_shared>>
    tpu.wait_indirect_dma semaphore(%arg9 : memref<!tpu.dma_semaphore, #tpu.memory_space<semaphore_mem>>) src(%arg6 : memref<128xf32, #tpu.memory_space<vmem>>) dst(%dma_wait3A_70 : memref<10240xf32, #tpu.memory_space<vmem_shared>>)
    %dma_wait3A_71 = arith.constant 0 : i32
    %dma_wait3A_72 = arith.constant 0 : i32
    %dma_wait3A_73 = tpu.memref_slice %arg5[%dma_wait3A_71, %dma_wait3A_72] : memref<79x128xi32, #tpu.memory_space<vmem>> -> memref<1x128xi32, #tpu.memory_space<vmem>>
    %dma_wait3A_74 = tpu.memref_squeeze %dma_wait3A_73 : memref<1x128xi32, #tpu.memory_space<vmem>> -> memref<128xi32, #tpu.memory_space<vmem>>
    %dma_wait3A_75 = arith.constant 0 : i32
    %dma_wait3A_76 = tpu.memref_slice %arg8[%dma_wait3A_75] : memref<10240xf32, #tpu.memory_space<vmem_shared>> -> memref<10240xf32, #tpu.memory_space<vmem_shared>>
    tpu.wait_indirect_dma semaphore(%arg9 : memref<!tpu.dma_semaphore, #tpu.memory_space<semaphore_mem>>) src(%arg6 : memref<128xf32, #tpu.memory_space<vmem>>) dst(%dma_wait3A_76 : memref<10240xf32, #tpu.memory_space<vmem_shared>>)
    %dma_wait3A_77 = arith.constant 0 : i32
    %dma_wait3A_78 = arith.constant 0 : i32
    %dma_wait3A_79 = tpu.memref_slice %arg5[%dma_wait3A_77, %dma_wait3A_78] : memref<79x128xi32, #tpu.memory_space<vmem>> -> memref<1x128xi32, #tpu.memory_space<vmem>>
    %dma_wait3A_80 = tpu.memref_squeeze %dma_wait3A_79 : memref<1x128xi32, #tpu.memory_space<vmem>> -> memref<128xi32, #tpu.memory_space<vmem>>
    %dma_wait3A_81 = arith.constant 0 : i32
    %dma_wait3A_82 = tpu.memref_slice %arg8[%dma_wait3A_81] : memref<10240xf32, #tpu.memory_space<vmem_shared>> -> memref<10240xf32, #tpu.memory_space<vmem_shared>>
    tpu.wait_indirect_dma semaphore(%arg9 : memref<!tpu.dma_semaphore, #tpu.memory_space<semaphore_mem>>) src(%arg6 : memref<128xf32, #tpu.memory_space<vmem>>) dst(%dma_wait3A_82 : memref<10240xf32, #tpu.memory_space<vmem_shared>>)
    %dma_wait3A_83 = arith.constant 0 : i32
    %dma_wait3A_84 = arith.constant 0 : i32
    %dma_wait3A_85 = tpu.memref_slice %arg5[%dma_wait3A_83, %dma_wait3A_84] : memref<79x128xi32, #tpu.memory_space<vmem>> -> memref<1x128xi32, #tpu.memory_space<vmem>>
    %dma_wait3A_86 = tpu.memref_squeeze %dma_wait3A_85 : memref<1x128xi32, #tpu.memory_space<vmem>> -> memref<128xi32, #tpu.memory_space<vmem>>
    %dma_wait3A_87 = arith.constant 0 : i32
    %dma_wait3A_88 = tpu.memref_slice %arg8[%dma_wait3A_87] : memref<10240xf32, #tpu.memory_space<vmem_shared>> -> memref<10240xf32, #tpu.memory_space<vmem_shared>>
    tpu.wait_indirect_dma semaphore(%arg9 : memref<!tpu.dma_semaphore, #tpu.memory_space<semaphore_mem>>) src(%arg6 : memref<128xf32, #tpu.memory_space<vmem>>) dst(%dma_wait3A_88 : memref<10240xf32, #tpu.memory_space<vmem_shared>>)
    %dma_wait3A_89 = arith.constant 0 : i32
    %dma_wait3A_90 = arith.constant 0 : i32
    %dma_wait3A_91 = tpu.memref_slice %arg5[%dma_wait3A_89, %dma_wait3A_90] : memref<79x128xi32, #tpu.memory_space<vmem>> -> memref<1x128xi32, #tpu.memory_space<vmem>>
    %dma_wait3A_92 = tpu.memref_squeeze %dma_wait3A_91 : memref<1x128xi32, #tpu.memory_space<vmem>> -> memref<128xi32, #tpu.memory_space<vmem>>
    %dma_wait3A_93 = arith.constant 0 : i32
    %dma_wait3A_94 = tpu.memref_slice %arg8[%dma_wait3A_93] : memref<10240xf32, #tpu.memory_space<vmem_shared>> -> memref<10240xf32, #tpu.memory_space<vmem_shared>>
    tpu.wait_indirect_dma semaphore(%arg9 : memref<!tpu.dma_semaphore, #tpu.memory_space<semaphore_mem>>) src(%arg6 : memref<128xf32, #tpu.memory_space<vmem>>) dst(%dma_wait3A_94 : memref<10240xf32, #tpu.memory_space<vmem_shared>>)
    %dma_wait3A_95 = arith.constant 0 : i32
    %dma_wait3A_96 = arith.constant 0 : i32
    %dma_wait3A_97 = tpu.memref_slice %arg5[%dma_wait3A_95, %dma_wait3A_96] : memref<79x128xi32, #tpu.memory_space<vmem>> -> memref<1x128xi32, #tpu.memory_space<vmem>>
    %dma_wait3A_98 = tpu.memref_squeeze %dma_wait3A_97 : memref<1x128xi32, #tpu.memory_space<vmem>> -> memref<128xi32, #tpu.memory_space<vmem>>
    %dma_wait3A_99 = arith.constant 0 : i32
    %dma_wait3A_100 = tpu.memref_slice %arg8[%dma_wait3A_99] : memref<10240xf32, #tpu.memory_space<vmem_shared>> -> memref<10240xf32, #tpu.memory_space<vmem_shared>>
    tpu.wait_indirect_dma semaphore(%arg9 : memref<!tpu.dma_semaphore, #tpu.memory_space<semaphore_mem>>) src(%arg6 : memref<128xf32, #tpu.memory_space<vmem>>) dst(%dma_wait3A_100 : memref<10240xf32, #tpu.memory_space<vmem_shared>>)
    %barrier3A_101 = arith.constant 0 : index
    tpu.barrier barrier_id(%barrier3A_101)
    %mul3A_102 = arith.constant 640 : i32
    %mul3A_103 = arith.muli %arg1, %mul3A_102 : i32
    "tpu.region"() ({
      %run_scoped3A = tpu.sem_alloc : memref<!tpu.dma_semaphore, #tpu.memory_space<semaphore_mem>>
      %dma_start3A = tpu.memref_slice %arg8[%mul3A_103] : memref<10240xf32, #tpu.memory_space<vmem_shared>> -> memref<640xf32, #tpu.memory_space<vmem_shared>>
      %dma_start3A_106 = tpu.memref_slice %arg8[%mul3A_103] : memref<10240xf32, #tpu.memory_space<vmem_shared>> -> memref<640xf32, #tpu.memory_space<vmem_shared>>
      tpu.enqueue_dma source(%dma_start3A_106 : memref<640xf32, #tpu.memory_space<vmem_shared>>) target(%arg7 : memref<640xf32, #tpu.memory_space<vmem>>) target_semaphore(%run_scoped3A : memref<!tpu.dma_semaphore, #tpu.memory_space<semaphore_mem>>)
      %dma_wait3A_107 = tpu.memref_slice %arg8[%mul3A_103] : memref<10240xf32, #tpu.memory_space<vmem_shared>> -> memref<640xf32, #tpu.memory_space<vmem_shared>>
      %dma_wait3A_108 = tpu.memref_slice %arg8[%mul3A_103] : memref<10240xf32, #tpu.memory_space<vmem_shared>> -> memref<640xf32, #tpu.memory_space<vmem_shared>>
      tpu.wait_dma2 semaphore(%run_scoped3A : memref<!tpu.dma_semaphore, #tpu.memory_space<semaphore_mem>>) src(%dma_wait3A_108 : memref<640xf32, #tpu.memory_space<vmem_shared>>) dst(%arg7 : memref<640xf32, #tpu.memory_space<vmem>>)
      tpu.yield
    }) : () -> ()
    %mul3A_104 = arith.constant 640 : i32
    %mul3A_105 = arith.muli %arg1, %mul3A_104 : i32
    "tpu.region"() ({
      %run_scoped3A = tpu.sem_alloc : memref<!tpu.dma_semaphore, #tpu.memory_space<semaphore_mem>>
      %dma_start3A = tpu.memref_slice %arg4[%arg0, %mul3A_105] : memref<2x10240xf32, #tpu.memory_space<hbm>> -> memref<1x640xf32, #tpu.memory_space<hbm>>
      %dma_start3A_106 = tpu.memref_squeeze %dma_start3A : memref<1x640xf32, #tpu.memory_space<hbm>> -> memref<640xf32, #tpu.memory_space<hbm>>
      %dma_start3A_107 = tpu.memref_slice %arg4[%arg0, %mul3A_105] : memref<2x10240xf32, #tpu.memory_space<hbm>> -> memref<1x640xf32, #tpu.memory_space<hbm>>
      %dma_start3A_108 = tpu.memref_squeeze %dma_start3A_107 : memref<1x640xf32, #tpu.memory_space<hbm>> -> memref<640xf32, #tpu.memory_space<hbm>>
      tpu.enqueue_dma source(%arg7 : memref<640xf32, #tpu.memory_space<vmem>>) target(%dma_start3A_108 : memref<640xf32, #tpu.memory_space<hbm>>) target_semaphore(%run_scoped3A : memref<!tpu.dma_semaphore, #tpu.memory_space<semaphore_mem>>)
      %dma_wait3A_109 = tpu.memref_slice %arg4[%arg0, %mul3A_105] : memref<2x10240xf32, #tpu.memory_space<hbm>> -> memref<1x640xf32, #tpu.memory_space<hbm>>
      %dma_wait3A_110 = tpu.memref_squeeze %dma_wait3A_109 : memref<1x640xf32, #tpu.memory_space<hbm>> -> memref<640xf32, #tpu.memory_space<hbm>>
      %dma_wait3A_111 = tpu.memref_slice %arg4[%arg0, %mul3A_105] : memref<2x10240xf32, #tpu.memory_space<hbm>> -> memref<1x640xf32, #tpu.memory_space<hbm>>
      %dma_wait3A_112 = tpu.memref_squeeze %dma_wait3A_111 : memref<1x640xf32, #tpu.memory_space<hbm>> -> memref<640xf32, #tpu.memory_space<hbm>>
      tpu.wait_dma2 semaphore(%run_scoped3A : memref<!tpu.dma_semaphore, #tpu.memory_space<semaphore_mem>>) src(%arg7 : memref<640xf32, #tpu.memory_space<vmem>>) dst(%dma_wait3A_112 : memref<640xf32, #tpu.memory_space<hbm>>)
      tpu.yield
    }) : () -> ()
    return
  }
}

#map = affine_map<(d0, d1) -> (0, 0)>
#map1 = affine_map<(d0, d1) -> (0, 0, 0)>
module attributes {stable_mosaic.version = 14 : i64} {
  func.func @agg_kernel(%arg0: i32, %arg1: i32, %arg2: memref<10000x64xf32, #tpu.memory_space<hbm>>, %arg3: memref<32x79x128xi32, #tpu.memory_space<hbm>>, %arg4: memref<32x79x128xi32, #tpu.memory_space<hbm>>, %arg5: memref<320x64xf32, #tpu.memory_space<hbm>>, %arg6: memref<2x10240x64xf32, #tpu.memory_space<hbm>>, %arg7: memref<79x128xi32, #tpu.memory_space<vmem>>, %arg8: memref<79x128xi32, #tpu.memory_space<vmem>>, %arg9: memref<512x64xf32, #tpu.memory_space<vmem>>, %arg10: memref<320x64xf32, #tpu.memory_space<vmem>>, %arg11: memref<10240x64xf32, #tpu.memory_space<vmem_shared>>, %arg12: memref<!tpu.dma_semaphore, #tpu.memory_space<semaphore_mem>>, %arg13: memref<!tpu.dma_semaphore, #tpu.memory_space<semaphore_mem>>) attributes {dimension_semantics = [#tpu.dimension_semantics<core_parallel>, #tpu.dimension_semantics<subcore_parallel>], iteration_bounds = array<i64: 2, 16>, scalar_prefetch = 0 : i64, scratch_operands = 7 : i64, tpu.core_type = #tpu.core_type<sc_vector_subcore>, window_params = [{transform_indices = #map}, {transform_indices = #map1}, {transform_indices = #map1}, {transform_indices = #map}, {transform_indices = #map1}]} {
    %mul3A = arith.constant 16 : i32
    %mul3A_0 = arith.muli %arg0, %mul3A : i32
    %add3A = arith.addi %mul3A_0, %arg1 : i32
    "tpu.region"() ({
      %run_scoped3A = tpu.sem_alloc : memref<!tpu.dma_semaphore, #tpu.memory_space<semaphore_mem>>
      tpu.enqueue_dma source(%arg5 : memref<320x64xf32, #tpu.memory_space<hbm>>) target(%arg10 : memref<320x64xf32, #tpu.memory_space<vmem>>) target_semaphore(%run_scoped3A : memref<!tpu.dma_semaphore, #tpu.memory_space<semaphore_mem>>)
      tpu.wait_dma2 semaphore(%run_scoped3A : memref<!tpu.dma_semaphore, #tpu.memory_space<semaphore_mem>>) src(%arg5 : memref<320x64xf32, #tpu.memory_space<hbm>>) dst(%arg10 : memref<320x64xf32, #tpu.memory_space<vmem>>)
      tpu.yield
    }) : () -> ()
    %mul3A_1 = arith.constant 640 : i32
    %mul3A_2 = arith.muli %arg1, %mul3A_1 : i32
    %add3A_3 = arith.constant 0 : i32
    %add3A_4 = arith.addi %mul3A_2, %add3A_3 : i32
    "tpu.region"() ({
      %run_scoped3A = tpu.sem_alloc : memref<!tpu.dma_semaphore, #tpu.memory_space<semaphore_mem>>
      %dma_start3A_69 = arith.constant 0 : i32
      %dma_start3A_70 = tpu.memref_slice %arg11[%add3A_4, %dma_start3A_69] : memref<10240x64xf32, #tpu.memory_space<vmem_shared>> -> memref<320x64xf32, #tpu.memory_space<vmem_shared>>
      %dma_start3A_71 = arith.constant 0 : i32
      %dma_start3A_72 = tpu.memref_slice %arg11[%add3A_4, %dma_start3A_71] : memref<10240x64xf32, #tpu.memory_space<vmem_shared>> -> memref<320x64xf32, #tpu.memory_space<vmem_shared>>
      tpu.enqueue_dma source(%arg10 : memref<320x64xf32, #tpu.memory_space<vmem>>) target(%dma_start3A_72 : memref<320x64xf32, #tpu.memory_space<vmem_shared>>) target_semaphore(%run_scoped3A : memref<!tpu.dma_semaphore, #tpu.memory_space<semaphore_mem>>)
      %dma_wait3A_73 = arith.constant 0 : i32
      %dma_wait3A_74 = tpu.memref_slice %arg11[%add3A_4, %dma_wait3A_73] : memref<10240x64xf32, #tpu.memory_space<vmem_shared>> -> memref<320x64xf32, #tpu.memory_space<vmem_shared>>
      %dma_wait3A_75 = arith.constant 0 : i32
      %dma_wait3A_76 = tpu.memref_slice %arg11[%add3A_4, %dma_wait3A_75] : memref<10240x64xf32, #tpu.memory_space<vmem_shared>> -> memref<320x64xf32, #tpu.memory_space<vmem_shared>>
      tpu.wait_dma2 semaphore(%run_scoped3A : memref<!tpu.dma_semaphore, #tpu.memory_space<semaphore_mem>>) src(%arg10 : memref<320x64xf32, #tpu.memory_space<vmem>>) dst(%dma_wait3A_76 : memref<320x64xf32, #tpu.memory_space<vmem_shared>>)
      tpu.yield
    }) : () -> ()
    %mul3A_5 = arith.constant 640 : i32
    %mul3A_6 = arith.muli %arg1, %mul3A_5 : i32
    %add3A_7 = arith.constant 320 : i32
    %add3A_8 = arith.addi %mul3A_6, %add3A_7 : i32
    "tpu.region"() ({
      %run_scoped3A = tpu.sem_alloc : memref<!tpu.dma_semaphore, #tpu.memory_space<semaphore_mem>>
      %dma_start3A_69 = arith.constant 0 : i32
      %dma_start3A_70 = tpu.memref_slice %arg11[%add3A_8, %dma_start3A_69] : memref<10240x64xf32, #tpu.memory_space<vmem_shared>> -> memref<320x64xf32, #tpu.memory_space<vmem_shared>>
      %dma_start3A_71 = arith.constant 0 : i32
      %dma_start3A_72 = tpu.memref_slice %arg11[%add3A_8, %dma_start3A_71] : memref<10240x64xf32, #tpu.memory_space<vmem_shared>> -> memref<320x64xf32, #tpu.memory_space<vmem_shared>>
      tpu.enqueue_dma source(%arg10 : memref<320x64xf32, #tpu.memory_space<vmem>>) target(%dma_start3A_72 : memref<320x64xf32, #tpu.memory_space<vmem_shared>>) target_semaphore(%run_scoped3A : memref<!tpu.dma_semaphore, #tpu.memory_space<semaphore_mem>>)
      %dma_wait3A_73 = arith.constant 0 : i32
      %dma_wait3A_74 = tpu.memref_slice %arg11[%add3A_8, %dma_wait3A_73] : memref<10240x64xf32, #tpu.memory_space<vmem_shared>> -> memref<320x64xf32, #tpu.memory_space<vmem_shared>>
      %dma_wait3A_75 = arith.constant 0 : i32
      %dma_wait3A_76 = tpu.memref_slice %arg11[%add3A_8, %dma_wait3A_75] : memref<10240x64xf32, #tpu.memory_space<vmem_shared>> -> memref<320x64xf32, #tpu.memory_space<vmem_shared>>
      tpu.wait_dma2 semaphore(%run_scoped3A : memref<!tpu.dma_semaphore, #tpu.memory_space<semaphore_mem>>) src(%arg10 : memref<320x64xf32, #tpu.memory_space<vmem>>) dst(%dma_wait3A_76 : memref<320x64xf32, #tpu.memory_space<vmem_shared>>)
      tpu.yield
    }) : () -> ()
    "tpu.region"() ({
      %run_scoped3A = tpu.sem_alloc : memref<!tpu.dma_semaphore, #tpu.memory_space<semaphore_mem>>
      %dma_start3A_69 = arith.constant 0 : i32
      %dma_start3A_70 = arith.constant 0 : i32
      %dma_start3A_71 = tpu.memref_slice %arg3[%add3A, %dma_start3A_69, %dma_start3A_70] : memref<32x79x128xi32, #tpu.memory_space<hbm>> -> memref<1x79x128xi32, #tpu.memory_space<hbm>>
      %dma_start3A_72 = tpu.memref_squeeze %dma_start3A_71 : memref<1x79x128xi32, #tpu.memory_space<hbm>> -> memref<79x128xi32, #tpu.memory_space<hbm>>
      %dma_start3A_73 = arith.constant 0 : i32
      %dma_start3A_74 = arith.constant 0 : i32
      %dma_start3A_75 = tpu.memref_slice %arg3[%add3A, %dma_start3A_73, %dma_start3A_74] : memref<32x79x128xi32, #tpu.memory_space<hbm>> -> memref<1x79x128xi32, #tpu.memory_space<hbm>>
      %dma_start3A_76 = tpu.memref_squeeze %dma_start3A_75 : memref<1x79x128xi32, #tpu.memory_space<hbm>> -> memref<79x128xi32, #tpu.memory_space<hbm>>
      tpu.enqueue_dma source(%dma_start3A_76 : memref<79x128xi32, #tpu.memory_space<hbm>>) target(%arg7 : memref<79x128xi32, #tpu.memory_space<vmem>>) target_semaphore(%run_scoped3A : memref<!tpu.dma_semaphore, #tpu.memory_space<semaphore_mem>>)
      %dma_wait3A_77 = arith.constant 0 : i32
      %dma_wait3A_78 = arith.constant 0 : i32
      %dma_wait3A_79 = tpu.memref_slice %arg3[%add3A, %dma_wait3A_77, %dma_wait3A_78] : memref<32x79x128xi32, #tpu.memory_space<hbm>> -> memref<1x79x128xi32, #tpu.memory_space<hbm>>
      %dma_wait3A_80 = tpu.memref_squeeze %dma_wait3A_79 : memref<1x79x128xi32, #tpu.memory_space<hbm>> -> memref<79x128xi32, #tpu.memory_space<hbm>>
      %dma_wait3A_81 = arith.constant 0 : i32
      %dma_wait3A_82 = arith.constant 0 : i32
      %dma_wait3A_83 = tpu.memref_slice %arg3[%add3A, %dma_wait3A_81, %dma_wait3A_82] : memref<32x79x128xi32, #tpu.memory_space<hbm>> -> memref<1x79x128xi32, #tpu.memory_space<hbm>>
      %dma_wait3A_84 = tpu.memref_squeeze %dma_wait3A_83 : memref<1x79x128xi32, #tpu.memory_space<hbm>> -> memref<79x128xi32, #tpu.memory_space<hbm>>
      tpu.wait_dma2 semaphore(%run_scoped3A : memref<!tpu.dma_semaphore, #tpu.memory_space<semaphore_mem>>) src(%dma_wait3A_84 : memref<79x128xi32, #tpu.memory_space<hbm>>) dst(%arg7 : memref<79x128xi32, #tpu.memory_space<vmem>>)
      tpu.yield
    }) : () -> ()
    "tpu.region"() ({
      %run_scoped3A = tpu.sem_alloc : memref<!tpu.dma_semaphore, #tpu.memory_space<semaphore_mem>>
      %dma_start3A_69 = arith.constant 0 : i32
      %dma_start3A_70 = arith.constant 0 : i32
      %dma_start3A_71 = tpu.memref_slice %arg4[%add3A, %dma_start3A_69, %dma_start3A_70] : memref<32x79x128xi32, #tpu.memory_space<hbm>> -> memref<1x79x128xi32, #tpu.memory_space<hbm>>
      %dma_start3A_72 = tpu.memref_squeeze %dma_start3A_71 : memref<1x79x128xi32, #tpu.memory_space<hbm>> -> memref<79x128xi32, #tpu.memory_space<hbm>>
      %dma_start3A_73 = arith.constant 0 : i32
      %dma_start3A_74 = arith.constant 0 : i32
      %dma_start3A_75 = tpu.memref_slice %arg4[%add3A, %dma_start3A_73, %dma_start3A_74] : memref<32x79x128xi32, #tpu.memory_space<hbm>> -> memref<1x79x128xi32, #tpu.memory_space<hbm>>
      %dma_start3A_76 = tpu.memref_squeeze %dma_start3A_75 : memref<1x79x128xi32, #tpu.memory_space<hbm>> -> memref<79x128xi32, #tpu.memory_space<hbm>>
      tpu.enqueue_dma source(%dma_start3A_76 : memref<79x128xi32, #tpu.memory_space<hbm>>) target(%arg8 : memref<79x128xi32, #tpu.memory_space<vmem>>) target_semaphore(%run_scoped3A : memref<!tpu.dma_semaphore, #tpu.memory_space<semaphore_mem>>)
      %dma_wait3A_77 = arith.constant 0 : i32
      %dma_wait3A_78 = arith.constant 0 : i32
      %dma_wait3A_79 = tpu.memref_slice %arg4[%add3A, %dma_wait3A_77, %dma_wait3A_78] : memref<32x79x128xi32, #tpu.memory_space<hbm>> -> memref<1x79x128xi32, #tpu.memory_space<hbm>>
      %dma_wait3A_80 = tpu.memref_squeeze %dma_wait3A_79 : memref<1x79x128xi32, #tpu.memory_space<hbm>> -> memref<79x128xi32, #tpu.memory_space<hbm>>
      %dma_wait3A_81 = arith.constant 0 : i32
      %dma_wait3A_82 = arith.constant 0 : i32
      %dma_wait3A_83 = tpu.memref_slice %arg4[%add3A, %dma_wait3A_81, %dma_wait3A_82] : memref<32x79x128xi32, #tpu.memory_space<hbm>> -> memref<1x79x128xi32, #tpu.memory_space<hbm>>
      %dma_wait3A_84 = tpu.memref_squeeze %dma_wait3A_83 : memref<1x79x128xi32, #tpu.memory_space<hbm>> -> memref<79x128xi32, #tpu.memory_space<hbm>>
      tpu.wait_dma2 semaphore(%run_scoped3A : memref<!tpu.dma_semaphore, #tpu.memory_space<semaphore_mem>>) src(%dma_wait3A_84 : memref<79x128xi32, #tpu.memory_space<hbm>>) dst(%arg8 : memref<79x128xi32, #tpu.memory_space<vmem>>)
      tpu.yield
    }) : () -> ()
    %barrier3A = arith.constant 0 : index
    tpu.barrier barrier_id(%barrier3A)
    %dma_start3A = arith.constant 0 : i32
    %dma_start3A_9 = arith.constant 0 : i32
    %dma_start3A_10 = arith.constant 0 : i32
    %dma_start3A_11 = tpu.memref_slice %arg9[%dma_start3A_9, %dma_start3A_10] : memref<512x64xf32, #tpu.memory_space<vmem>> -> memref<128x64xf32, #tpu.memory_space<vmem>>
    %dma_start3A_12 = arith.constant 0 : i32
    %dma_start3A_13 = tpu.memref_slice %arg7[%dma_start3A, %dma_start3A_12] : memref<79x128xi32, #tpu.memory_space<vmem>> -> memref<1x128xi32, #tpu.memory_space<vmem>>
    %dma_start3A_14 = tpu.memref_squeeze %dma_start3A_13 : memref<1x128xi32, #tpu.memory_space<vmem>> -> memref<128xi32, #tpu.memory_space<vmem>>
    %dma_start3A_15 = arith.constant 0 : i32
    %dma_start3A_16 = arith.constant 0 : i32
    %dma_start3A_17 = tpu.memref_slice %arg2[%dma_start3A_15, %dma_start3A_16] : memref<10000x64xf32, #tpu.memory_space<hbm>> -> memref<10000x64xf32, #tpu.memory_space<hbm>>
    tpu.enqueue_indirect_dma source(%dma_start3A_17 : memref<10000x64xf32, #tpu.memory_space<hbm>>) target(%dma_start3A_11 : memref<128x64xf32, #tpu.memory_space<vmem>>) offsets(%dma_start3A_14 : memref<128xi32, #tpu.memory_space<vmem>>) semaphore(%arg12 : memref<!tpu.dma_semaphore, #tpu.memory_space<semaphore_mem>>)
    %dma_start3A_18 = arith.constant 1 : i32
    %dma_start3A_19 = arith.constant 128 : i32
    %dma_start3A_20 = arith.constant 0 : i32
    %dma_start3A_21 = tpu.memref_slice %arg9[%dma_start3A_19, %dma_start3A_20] : memref<512x64xf32, #tpu.memory_space<vmem>> -> memref<128x64xf32, #tpu.memory_space<vmem>>
    %dma_start3A_22 = arith.constant 0 : i32
    %dma_start3A_23 = tpu.memref_slice %arg7[%dma_start3A_18, %dma_start3A_22] : memref<79x128xi32, #tpu.memory_space<vmem>> -> memref<1x128xi32, #tpu.memory_space<vmem>>
    %dma_start3A_24 = tpu.memref_squeeze %dma_start3A_23 : memref<1x128xi32, #tpu.memory_space<vmem>> -> memref<128xi32, #tpu.memory_space<vmem>>
    %dma_start3A_25 = arith.constant 0 : i32
    %dma_start3A_26 = arith.constant 0 : i32
    %dma_start3A_27 = tpu.memref_slice %arg2[%dma_start3A_25, %dma_start3A_26] : memref<10000x64xf32, #tpu.memory_space<hbm>> -> memref<10000x64xf32, #tpu.memory_space<hbm>>
    tpu.enqueue_indirect_dma source(%dma_start3A_27 : memref<10000x64xf32, #tpu.memory_space<hbm>>) target(%dma_start3A_21 : memref<128x64xf32, #tpu.memory_space<vmem>>) offsets(%dma_start3A_24 : memref<128xi32, #tpu.memory_space<vmem>>) semaphore(%arg12 : memref<!tpu.dma_semaphore, #tpu.memory_space<semaphore_mem>>)
    %dma_start3A_28 = arith.constant 2 : i32
    %dma_start3A_29 = arith.constant 256 : i32
    %dma_start3A_30 = arith.constant 0 : i32
    %dma_start3A_31 = tpu.memref_slice %arg9[%dma_start3A_29, %dma_start3A_30] : memref<512x64xf32, #tpu.memory_space<vmem>> -> memref<128x64xf32, #tpu.memory_space<vmem>>
    %dma_start3A_32 = arith.constant 0 : i32
    %dma_start3A_33 = tpu.memref_slice %arg7[%dma_start3A_28, %dma_start3A_32] : memref<79x128xi32, #tpu.memory_space<vmem>> -> memref<1x128xi32, #tpu.memory_space<vmem>>
    %dma_start3A_34 = tpu.memref_squeeze %dma_start3A_33 : memref<1x128xi32, #tpu.memory_space<vmem>> -> memref<128xi32, #tpu.memory_space<vmem>>
    %dma_start3A_35 = arith.constant 0 : i32
    %dma_start3A_36 = arith.constant 0 : i32
    %dma_start3A_37 = tpu.memref_slice %arg2[%dma_start3A_35, %dma_start3A_36] : memref<10000x64xf32, #tpu.memory_space<hbm>> -> memref<10000x64xf32, #tpu.memory_space<hbm>>
    tpu.enqueue_indirect_dma source(%dma_start3A_37 : memref<10000x64xf32, #tpu.memory_space<hbm>>) target(%dma_start3A_31 : memref<128x64xf32, #tpu.memory_space<vmem>>) offsets(%dma_start3A_34 : memref<128xi32, #tpu.memory_space<vmem>>) semaphore(%arg12 : memref<!tpu.dma_semaphore, #tpu.memory_space<semaphore_mem>>)
    %scan3A = arith.constant 0 : i32
    %scan3A_38 = arith.constant 0 : i32
    %scan3A_39 = arith.constant 79 : i32
    %scan3A_40 = arith.addi %scan3A_38, %scan3A_39 : i32
    %scan3A_41 = arith.constant 1 : i32
    scf.for %scan3A_69 = %scan3A_38 to %scan3A_40 step %scan3A_41  : i32 {
      %rem3A = arith.constant 4 : i32
      %rem3A_70 = arith.remsi %scan3A_69, %rem3A : i32
      %mul3A_71 = arith.constant 128 : i32
      %mul3A_72 = arith.muli %rem3A_70, %mul3A_71 : i32
      %add3A_73 = arith.constant 4 : i32
      %add3A_74 = arith.addi %scan3A_69, %add3A_73 : i32
      %sub3A = arith.constant 1 : i32
      %sub3A_75 = arith.subi %add3A_74, %sub3A : i32
      %rem3A_76 = arith.constant 4 : i32
      %rem3A_77 = arith.remsi %sub3A_75, %rem3A_76 : i32
      %mul3A_78 = arith.constant 128 : i32
      %mul3A_79 = arith.muli %rem3A_77, %mul3A_78 : i32
      %ge3A = arith.constant 1 : i32
      %ge3A_80 = arith.cmpi sge, %scan3A_69, %ge3A : i32
      %convert_element_type3A = arith.extui %ge3A_80 : i1 to i32
      %cond3A = arith.constant 0 : i32
      %cond3A_81 = arith.cmpi ne, %convert_element_type3A, %cond3A : i32
      scf.if %cond3A_81 {
        %dma_wait3A_102 = arith.constant 0 : i32
        %dma_wait3A_103 = arith.constant 0 : i32
        %dma_wait3A_104 = arith.constant 0 : i32
        %dma_wait3A_105 = tpu.memref_slice %arg9[%dma_wait3A_103, %dma_wait3A_104] : memref<512x64xf32, #tpu.memory_space<vmem>> -> memref<128x64xf32, #tpu.memory_space<vmem>>
        %dma_wait3A_106 = arith.constant 0 : i32
        %dma_wait3A_107 = tpu.memref_slice %arg8[%dma_wait3A_102, %dma_wait3A_106] : memref<79x128xi32, #tpu.memory_space<vmem>> -> memref<1x128xi32, #tpu.memory_space<vmem>>
        %dma_wait3A_108 = tpu.memref_squeeze %dma_wait3A_107 : memref<1x128xi32, #tpu.memory_space<vmem>> -> memref<128xi32, #tpu.memory_space<vmem>>
        %dma_wait3A_109 = arith.constant 0 : i32
        %dma_wait3A_110 = arith.constant 0 : i32
        %dma_wait3A_111 = tpu.memref_slice %arg11[%dma_wait3A_109, %dma_wait3A_110] : memref<10240x64xf32, #tpu.memory_space<vmem_shared>> -> memref<10240x64xf32, #tpu.memory_space<vmem_shared>>
        tpu.wait_indirect_dma semaphore(%arg13 : memref<!tpu.dma_semaphore, #tpu.memory_space<semaphore_mem>>) src(%dma_wait3A_105 : memref<128x64xf32, #tpu.memory_space<vmem>>) dst(%dma_wait3A_111 : memref<10240x64xf32, #tpu.memory_space<vmem_shared>>)
      } else {
      }
      %lt3A = arith.constant 79 : i32
      %lt3A_82 = arith.cmpi slt, %sub3A_75, %lt3A : i32
      %convert_element_type3A_83 = arith.extui %lt3A_82 : i1 to i32
      %cond3A_84 = arith.constant 0 : i32
      %cond3A_85 = arith.cmpi ne, %convert_element_type3A_83, %cond3A_84 : i32
      scf.if %cond3A_85 {
        %dma_start3A_102 = arith.constant 0 : i32
        %dma_start3A_103 = tpu.memref_slice %arg9[%mul3A_79, %dma_start3A_102] : memref<512x64xf32, #tpu.memory_space<vmem>> -> memref<128x64xf32, #tpu.memory_space<vmem>>
        %dma_start3A_104 = arith.constant 0 : i32
        %dma_start3A_105 = tpu.memref_slice %arg7[%sub3A_75, %dma_start3A_104] : memref<79x128xi32, #tpu.memory_space<vmem>> -> memref<1x128xi32, #tpu.memory_space<vmem>>
        %dma_start3A_106 = tpu.memref_squeeze %dma_start3A_105 : memref<1x128xi32, #tpu.memory_space<vmem>> -> memref<128xi32, #tpu.memory_space<vmem>>
        %dma_start3A_107 = arith.constant 0 : i32
        %dma_start3A_108 = arith.constant 0 : i32
        %dma_start3A_109 = tpu.memref_slice %arg2[%dma_start3A_107, %dma_start3A_108] : memref<10000x64xf32, #tpu.memory_space<hbm>> -> memref<10000x64xf32, #tpu.memory_space<hbm>>
        tpu.enqueue_indirect_dma source(%dma_start3A_109 : memref<10000x64xf32, #tpu.memory_space<hbm>>) target(%dma_start3A_103 : memref<128x64xf32, #tpu.memory_space<vmem>>) offsets(%dma_start3A_106 : memref<128xi32, #tpu.memory_space<vmem>>) semaphore(%arg12 : memref<!tpu.dma_semaphore, #tpu.memory_space<semaphore_mem>>)
      } else {
      }
      %dma_wait3A_86 = arith.constant 0 : i32
      %dma_wait3A_87 = tpu.memref_slice %arg9[%mul3A_72, %dma_wait3A_86] : memref<512x64xf32, #tpu.memory_space<vmem>> -> memref<128x64xf32, #tpu.memory_space<vmem>>
      %dma_wait3A_88 = arith.constant 0 : i32
      %dma_wait3A_89 = tpu.memref_slice %arg7[%scan3A_69, %dma_wait3A_88] : memref<79x128xi32, #tpu.memory_space<vmem>> -> memref<1x128xi32, #tpu.memory_space<vmem>>
      %dma_wait3A_90 = tpu.memref_squeeze %dma_wait3A_89 : memref<1x128xi32, #tpu.memory_space<vmem>> -> memref<128xi32, #tpu.memory_space<vmem>>
      %dma_wait3A_91 = arith.constant 0 : i32
      %dma_wait3A_92 = arith.constant 0 : i32
      %dma_wait3A_93 = tpu.memref_slice %arg2[%dma_wait3A_91, %dma_wait3A_92] : memref<10000x64xf32, #tpu.memory_space<hbm>> -> memref<10000x64xf32, #tpu.memory_space<hbm>>
      tpu.wait_indirect_dma semaphore(%arg12 : memref<!tpu.dma_semaphore, #tpu.memory_space<semaphore_mem>>) src(%dma_wait3A_93 : memref<10000x64xf32, #tpu.memory_space<hbm>>) dst(%dma_wait3A_87 : memref<128x64xf32, #tpu.memory_space<vmem>>)
      %dma_start3A_94 = arith.constant 0 : i32
      %dma_start3A_95 = tpu.memref_slice %arg9[%mul3A_72, %dma_start3A_94] : memref<512x64xf32, #tpu.memory_space<vmem>> -> memref<128x64xf32, #tpu.memory_space<vmem>>
      %dma_start3A_96 = arith.constant 0 : i32
      %dma_start3A_97 = tpu.memref_slice %arg8[%scan3A_69, %dma_start3A_96] : memref<79x128xi32, #tpu.memory_space<vmem>> -> memref<1x128xi32, #tpu.memory_space<vmem>>
      %dma_start3A_98 = tpu.memref_squeeze %dma_start3A_97 : memref<1x128xi32, #tpu.memory_space<vmem>> -> memref<128xi32, #tpu.memory_space<vmem>>
      %dma_start3A_99 = arith.constant 0 : i32
      %dma_start3A_100 = arith.constant 0 : i32
      %dma_start3A_101 = tpu.memref_slice %arg11[%dma_start3A_99, %dma_start3A_100] : memref<10240x64xf32, #tpu.memory_space<vmem_shared>> -> memref<10240x64xf32, #tpu.memory_space<vmem_shared>>
      tpu.enqueue_indirect_dma source(%dma_start3A_95 : memref<128x64xf32, #tpu.memory_space<vmem>>) target(%dma_start3A_101 : memref<10240x64xf32, #tpu.memory_space<vmem_shared>>) offsets(%dma_start3A_98 : memref<128xi32, #tpu.memory_space<vmem>>) semaphore(%arg13 : memref<!tpu.dma_semaphore, #tpu.memory_space<semaphore_mem>>) {add = true}
    }
    %scan3A_42 = arith.constant 79 : i32
    %dma_wait3A = arith.constant 0 : i32
    %dma_wait3A_43 = arith.constant 0 : i32
    %dma_wait3A_44 = arith.constant 0 : i32
    %dma_wait3A_45 = tpu.memref_slice %arg9[%dma_wait3A_43, %dma_wait3A_44] : memref<512x64xf32, #tpu.memory_space<vmem>> -> memref<128x64xf32, #tpu.memory_space<vmem>>
    %dma_wait3A_46 = arith.constant 0 : i32
    %dma_wait3A_47 = tpu.memref_slice %arg8[%dma_wait3A, %dma_wait3A_46] : memref<79x128xi32, #tpu.memory_space<vmem>> -> memref<1x128xi32, #tpu.memory_space<vmem>>
    %dma_wait3A_48 = tpu.memref_squeeze %dma_wait3A_47 : memref<1x128xi32, #tpu.memory_space<vmem>> -> memref<128xi32, #tpu.memory_space<vmem>>
    %dma_wait3A_49 = arith.constant 0 : i32
    %dma_wait3A_50 = arith.constant 0 : i32
    %dma_wait3A_51 = tpu.memref_slice %arg11[%dma_wait3A_49, %dma_wait3A_50] : memref<10240x64xf32, #tpu.memory_space<vmem_shared>> -> memref<10240x64xf32, #tpu.memory_space<vmem_shared>>
    tpu.wait_indirect_dma semaphore(%arg13 : memref<!tpu.dma_semaphore, #tpu.memory_space<semaphore_mem>>) src(%dma_wait3A_45 : memref<128x64xf32, #tpu.memory_space<vmem>>) dst(%dma_wait3A_51 : memref<10240x64xf32, #tpu.memory_space<vmem_shared>>)
    %barrier3A_52 = arith.constant 0 : index
    tpu.barrier barrier_id(%barrier3A_52)
    %mul3A_53 = arith.constant 640 : i32
    %mul3A_54 = arith.muli %arg1, %mul3A_53 : i32
    %add3A_55 = arith.constant 0 : i32
    %add3A_56 = arith.addi %mul3A_54, %add3A_55 : i32
    "tpu.region"() ({
      %run_scoped3A = tpu.sem_alloc : memref<!tpu.dma_semaphore, #tpu.memory_space<semaphore_mem>>
      %dma_start3A_69 = arith.constant 0 : i32
      %dma_start3A_70 = tpu.memref_slice %arg11[%add3A_56, %dma_start3A_69] : memref<10240x64xf32, #tpu.memory_space<vmem_shared>> -> memref<320x64xf32, #tpu.memory_space<vmem_shared>>
      %dma_start3A_71 = arith.constant 0 : i32
      %dma_start3A_72 = tpu.memref_slice %arg11[%add3A_56, %dma_start3A_71] : memref<10240x64xf32, #tpu.memory_space<vmem_shared>> -> memref<320x64xf32, #tpu.memory_space<vmem_shared>>
      tpu.enqueue_dma source(%dma_start3A_72 : memref<320x64xf32, #tpu.memory_space<vmem_shared>>) target(%arg10 : memref<320x64xf32, #tpu.memory_space<vmem>>) target_semaphore(%run_scoped3A : memref<!tpu.dma_semaphore, #tpu.memory_space<semaphore_mem>>)
      %dma_wait3A_73 = arith.constant 0 : i32
      %dma_wait3A_74 = tpu.memref_slice %arg11[%add3A_56, %dma_wait3A_73] : memref<10240x64xf32, #tpu.memory_space<vmem_shared>> -> memref<320x64xf32, #tpu.memory_space<vmem_shared>>
      %dma_wait3A_75 = arith.constant 0 : i32
      %dma_wait3A_76 = tpu.memref_slice %arg11[%add3A_56, %dma_wait3A_75] : memref<10240x64xf32, #tpu.memory_space<vmem_shared>> -> memref<320x64xf32, #tpu.memory_space<vmem_shared>>
      tpu.wait_dma2 semaphore(%run_scoped3A : memref<!tpu.dma_semaphore, #tpu.memory_space<semaphore_mem>>) src(%dma_wait3A_76 : memref<320x64xf32, #tpu.memory_space<vmem_shared>>) dst(%arg10 : memref<320x64xf32, #tpu.memory_space<vmem>>)
      tpu.yield
    }) : () -> ()
    %mul3A_57 = arith.constant 640 : i32
    %mul3A_58 = arith.muli %arg1, %mul3A_57 : i32
    %add3A_59 = arith.constant 0 : i32
    %add3A_60 = arith.addi %mul3A_58, %add3A_59 : i32
    "tpu.region"() ({
      %run_scoped3A = tpu.sem_alloc : memref<!tpu.dma_semaphore, #tpu.memory_space<semaphore_mem>>
      %dma_start3A_69 = arith.constant 0 : i32
      %dma_start3A_70 = tpu.memref_slice %arg6[%arg0, %add3A_60, %dma_start3A_69] : memref<2x10240x64xf32, #tpu.memory_space<hbm>> -> memref<1x320x64xf32, #tpu.memory_space<hbm>>
      %dma_start3A_71 = tpu.memref_squeeze %dma_start3A_70 : memref<1x320x64xf32, #tpu.memory_space<hbm>> -> memref<320x64xf32, #tpu.memory_space<hbm>>
      %dma_start3A_72 = arith.constant 0 : i32
      %dma_start3A_73 = tpu.memref_slice %arg6[%arg0, %add3A_60, %dma_start3A_72] : memref<2x10240x64xf32, #tpu.memory_space<hbm>> -> memref<1x320x64xf32, #tpu.memory_space<hbm>>
      %dma_start3A_74 = tpu.memref_squeeze %dma_start3A_73 : memref<1x320x64xf32, #tpu.memory_space<hbm>> -> memref<320x64xf32, #tpu.memory_space<hbm>>
      tpu.enqueue_dma source(%arg10 : memref<320x64xf32, #tpu.memory_space<vmem>>) target(%dma_start3A_74 : memref<320x64xf32, #tpu.memory_space<hbm>>) target_semaphore(%run_scoped3A : memref<!tpu.dma_semaphore, #tpu.memory_space<semaphore_mem>>)
      %dma_wait3A_75 = arith.constant 0 : i32
      %dma_wait3A_76 = tpu.memref_slice %arg6[%arg0, %add3A_60, %dma_wait3A_75] : memref<2x10240x64xf32, #tpu.memory_space<hbm>> -> memref<1x320x64xf32, #tpu.memory_space<hbm>>
      %dma_wait3A_77 = tpu.memref_squeeze %dma_wait3A_76 : memref<1x320x64xf32, #tpu.memory_space<hbm>> -> memref<320x64xf32, #tpu.memory_space<hbm>>
      %dma_wait3A_78 = arith.constant 0 : i32
      %dma_wait3A_79 = tpu.memref_slice %arg6[%arg0, %add3A_60, %dma_wait3A_78] : memref<2x10240x64xf32, #tpu.memory_space<hbm>> -> memref<1x320x64xf32, #tpu.memory_space<hbm>>
      %dma_wait3A_80 = tpu.memref_squeeze %dma_wait3A_79 : memref<1x320x64xf32, #tpu.memory_space<hbm>> -> memref<320x64xf32, #tpu.memory_space<hbm>>
      tpu.wait_dma2 semaphore(%run_scoped3A : memref<!tpu.dma_semaphore, #tpu.memory_space<semaphore_mem>>) src(%arg10 : memref<320x64xf32, #tpu.memory_space<vmem>>) dst(%dma_wait3A_80 : memref<320x64xf32, #tpu.memory_space<hbm>>)
      tpu.yield
    }) : () -> ()
    %mul3A_61 = arith.constant 640 : i32
    %mul3A_62 = arith.muli %arg1, %mul3A_61 : i32
    %add3A_63 = arith.constant 320 : i32
    %add3A_64 = arith.addi %mul3A_62, %add3A_63 : i32
    "tpu.region"() ({
      %run_scoped3A = tpu.sem_alloc : memref<!tpu.dma_semaphore, #tpu.memory_space<semaphore_mem>>
      %dma_start3A_69 = arith.constant 0 : i32
      %dma_start3A_70 = tpu.memref_slice %arg11[%add3A_64, %dma_start3A_69] : memref<10240x64xf32, #tpu.memory_space<vmem_shared>> -> memref<320x64xf32, #tpu.memory_space<vmem_shared>>
      %dma_start3A_71 = arith.constant 0 : i32
      %dma_start3A_72 = tpu.memref_slice %arg11[%add3A_64, %dma_start3A_71] : memref<10240x64xf32, #tpu.memory_space<vmem_shared>> -> memref<320x64xf32, #tpu.memory_space<vmem_shared>>
      tpu.enqueue_dma source(%dma_start3A_72 : memref<320x64xf32, #tpu.memory_space<vmem_shared>>) target(%arg10 : memref<320x64xf32, #tpu.memory_space<vmem>>) target_semaphore(%run_scoped3A : memref<!tpu.dma_semaphore, #tpu.memory_space<semaphore_mem>>)
      %dma_wait3A_73 = arith.constant 0 : i32
      %dma_wait3A_74 = tpu.memref_slice %arg11[%add3A_64, %dma_wait3A_73] : memref<10240x64xf32, #tpu.memory_space<vmem_shared>> -> memref<320x64xf32, #tpu.memory_space<vmem_shared>>
      %dma_wait3A_75 = arith.constant 0 : i32
      %dma_wait3A_76 = tpu.memref_slice %arg11[%add3A_64, %dma_wait3A_75] : memref<10240x64xf32, #tpu.memory_space<vmem_shared>> -> memref<320x64xf32, #tpu.memory_space<vmem_shared>>
      tpu.wait_dma2 semaphore(%run_scoped3A : memref<!tpu.dma_semaphore, #tpu.memory_space<semaphore_mem>>) src(%dma_wait3A_76 : memref<320x64xf32, #tpu.memory_space<vmem_shared>>) dst(%arg10 : memref<320x64xf32, #tpu.memory_space<vmem>>)
      tpu.yield
    }) : () -> ()
    %mul3A_65 = arith.constant 640 : i32
    %mul3A_66 = arith.muli %arg1, %mul3A_65 : i32
    %add3A_67 = arith.constant 320 : i32
    %add3A_68 = arith.addi %mul3A_66, %add3A_67 : i32
    "tpu.region"() ({
      %run_scoped3A = tpu.sem_alloc : memref<!tpu.dma_semaphore, #tpu.memory_space<semaphore_mem>>
      %dma_start3A_69 = arith.constant 0 : i32
      %dma_start3A_70 = tpu.memref_slice %arg6[%arg0, %add3A_68, %dma_start3A_69] : memref<2x10240x64xf32, #tpu.memory_space<hbm>> -> memref<1x320x64xf32, #tpu.memory_space<hbm>>
      %dma_start3A_71 = tpu.memref_squeeze %dma_start3A_70 : memref<1x320x64xf32, #tpu.memory_space<hbm>> -> memref<320x64xf32, #tpu.memory_space<hbm>>
      %dma_start3A_72 = arith.constant 0 : i32
      %dma_start3A_73 = tpu.memref_slice %arg6[%arg0, %add3A_68, %dma_start3A_72] : memref<2x10240x64xf32, #tpu.memory_space<hbm>> -> memref<1x320x64xf32, #tpu.memory_space<hbm>>
      %dma_start3A_74 = tpu.memref_squeeze %dma_start3A_73 : memref<1x320x64xf32, #tpu.memory_space<hbm>> -> memref<320x64xf32, #tpu.memory_space<hbm>>
      tpu.enqueue_dma source(%arg10 : memref<320x64xf32, #tpu.memory_space<vmem>>) target(%dma_start3A_74 : memref<320x64xf32, #tpu.memory_space<hbm>>) target_semaphore(%run_scoped3A : memref<!tpu.dma_semaphore, #tpu.memory_space<semaphore_mem>>)
      %dma_wait3A_75 = arith.constant 0 : i32
      %dma_wait3A_76 = tpu.memref_slice %arg6[%arg0, %add3A_68, %dma_wait3A_75] : memref<2x10240x64xf32, #tpu.memory_space<hbm>> -> memref<1x320x64xf32, #tpu.memory_space<hbm>>
      %dma_wait3A_77 = tpu.memref_squeeze %dma_wait3A_76 : memref<1x320x64xf32, #tpu.memory_space<hbm>> -> memref<320x64xf32, #tpu.memory_space<hbm>>
      %dma_wait3A_78 = arith.constant 0 : i32
      %dma_wait3A_79 = tpu.memref_slice %arg6[%arg0, %add3A_68, %dma_wait3A_78] : memref<2x10240x64xf32, #tpu.memory_space<hbm>> -> memref<1x320x64xf32, #tpu.memory_space<hbm>>
      %dma_wait3A_80 = tpu.memref_squeeze %dma_wait3A_79 : memref<1x320x64xf32, #tpu.memory_space<hbm>> -> memref<320x64xf32, #tpu.memory_space<hbm>>
      tpu.wait_dma2 semaphore(%run_scoped3A : memref<!tpu.dma_semaphore, #tpu.memory_space<semaphore_mem>>) src(%arg10 : memref<320x64xf32, #tpu.memory_space<vmem>>) dst(%dma_wait3A_80 : memref<320x64xf32, #tpu.memory_space<hbm>>)
      tpu.yield
    }) : () -> ()
    return
  }
}

module attributes {stable_mosaic.version = 14 : i64} {
  func.func @_hs_body(%arg0: i32, %arg1: memref<2000x128xf32, #tpu.memory_space<vmem>>, %arg2: memref<128x128xf32, #tpu.memory_space<vmem>>, %arg3: memref<64x128xf32, #tpu.memory_space<vmem>>, %arg4: memref<2000x2xf32, #tpu.memory_space<vmem>>, %arg5: memref<2000x64xf32, #tpu.memory_space<vmem>>) attributes {dimension_semantics = [#tpu.dimension_semantics<arbitrary>], iteration_bounds = array<i64: 5>, scalar_prefetch = 0 : i64, scratch_operands = 0 : i64, tpu.core_type = #tpu.core_type<tc>, window_params = [{transform_indices = @transform_0, window_bounds = array<i64: 2000, 128>}, {pipeline_mode = #tpu.pipeline_mode<synchronous>, transform_indices = @transform_1, window_bounds = array<i64: 128, 128>}, {pipeline_mode = #tpu.pipeline_mode<synchronous>, transform_indices = @transform_2, window_bounds = array<i64: 64, 128>}, {transform_indices = @transform_3, window_bounds = array<i64: 2000, 2>}, {transform_indices = @transform_4, window_bounds = array<i64: 2000, 64>}]} {
    %get3A = arith.constant 0 : index
    %get3A_0 = arith.constant 0 : index
    %get3A_1 = vector.load %arg3[%get3A, %get3A_0] : memref<64x128xf32, #tpu.memory_space<vmem>>, vector<64x128xf32>
    %get3A_2 = arith.constant 0 : index
    %get3A_3 = arith.constant 0 : index
    %get3A_4 = vector.load %arg2[%get3A_2, %get3A_3] : memref<128x128xf32, #tpu.memory_space<vmem>>, vector<128x128xf32>
    %dot_general3A = arith.constant dense<0.000000e+00> : vector<64x128xf32>
    %dot_general3A_5 = tpu.matmul %get3A_1, %get3A_4, %dot_general3A {dimension_numbers = #tpu.dot_dimension_numbers<[1], [0], [0], [1], [0, 0, 1, 1], [], []>, precision = #tpu.contract_precision<fp32>, transpose_lhs_hint = false} : vector<64x128xf32>, vector<128x128xf32>, vector<64x128xf32> -> vector<64x128xf32>
    %get3A_6 = arith.constant 0 : index
    %get3A_7 = arith.constant 0 : index
    %get3A_8 = vector.load %arg1[%get3A_6, %get3A_7] : memref<2000x128xf32, #tpu.memory_space<vmem>>, vector<2000x128xf32>
    %dot_general3A_9 = arith.constant dense<0.000000e+00> : vector<2000x64xf32>
    %dot_general3A_10 = tpu.matmul %get3A_8, %dot_general3A_5, %dot_general3A_9 {dimension_numbers = #tpu.dot_dimension_numbers<[1], [1], [0], [0], [0, 0, 1, 0], [], []>, precision = #tpu.contract_precision<fp32>, transpose_lhs_hint = false} : vector<2000x128xf32>, vector<64x128xf32>, vector<2000x64xf32> -> vector<2000x64xf32>
    %get3A_11 = arith.constant 0 : index
    %get3A_12 = arith.constant 0 : index
    %get3A_13 = vector.load %arg4[%get3A_11, %get3A_12] : memref<2000x2xf32, #tpu.memory_space<vmem>>, vector<2000x2xf32>
    %reduce_sum3A = arith.constant dense<0.000000e+00> : vector<2000xf32>
    %reduce_sum3A_14 = vector.multi_reduction <add>, %get3A_13, %reduce_sum3A [1] : vector<2000x2xf32> to vector<2000xf32>
    %broadcast_in_dim3A = vector.shape_cast %reduce_sum3A_14 : vector<2000xf32> to vector<2000x1xf32>
    %add3A = arith.constant 1.000000e+00 : f32
    %add3A_15 = vector.broadcast %add3A : f32 to vector<2000x1xf32>
    %add3A_16 = arith.addf %broadcast_in_dim3A, %add3A_15 : vector<2000x1xf32>
    %rsqrt3A = math.rsqrt %add3A_16 : vector<2000x1xf32>
    %mul3A = vector.broadcast %rsqrt3A : vector<2000x1xf32> to vector<2000x64xf32>
    %mul3A_17 = arith.mulf %dot_general3A_10, %mul3A : vector<2000x64xf32>
    %swap3A = arith.constant 0 : index
    %swap3A_18 = arith.constant 0 : index
    %swap3A_19 = vector.load %arg5[%swap3A, %swap3A_18] : memref<2000x64xf32, #tpu.memory_space<vmem>>, vector<2000x64xf32>
    tpu.vector_store %arg5[%swap3A, %swap3A_18], %mul3A_17 {strides = array<i32>} : memref<2000x64xf32, #tpu.memory_space<vmem>>, vector<2000x64xf32>,
    return
  }
  func.func @transform_0(%arg0: i32) -> (i32, i32) {
    %c0_i32 = arith.constant 0 : i32
    %c0_i32_0 = arith.constant 0 : i32
    return %arg0, %c0_i32 : i32, i32
  }
  func.func @transform_1(%arg0: i32) -> (i32, i32) {
    %c0_i32 = arith.constant 0 : i32
    %c0_i32_0 = arith.constant 0 : i32
    %c0_i32_1 = arith.constant 0 : i32
    return %c0_i32, %c0_i32_0 : i32, i32
  }
  func.func @transform_2(%arg0: i32) -> (i32, i32) {
    %c0_i32 = arith.constant 0 : i32
    %c0_i32_0 = arith.constant 0 : i32
    %c0_i32_1 = arith.constant 0 : i32
    return %c0_i32, %c0_i32_0 : i32, i32
  }
  func.func @transform_3(%arg0: i32) -> (i32, i32) {
    %c0_i32 = arith.constant 0 : i32
    %c0_i32_0 = arith.constant 0 : i32
    return %arg0, %c0_i32 : i32, i32
  }
  func.func @transform_4(%arg0: i32) -> (i32, i32) {
    %c0_i32 = arith.constant 0 : i32
    %c0_i32_0 = arith.constant 0 : i32
    return %arg0, %c0_i32 : i32, i32
  }
}

module attributes {stable_mosaic.version = 14 : i64} {
  func.func @_final_body(%arg0: i32, %arg1: memref<2000x64xf32, #tpu.memory_space<vmem>>, %arg2: memref<2000x64xf32, #tpu.memory_space<vmem>>, %arg3: memref<2000x64xf32, #tpu.memory_space<vmem>>, %arg4: memref<2000x2xf32, #tpu.memory_space<vmem>>, %arg5: memref<64x128xf32, #tpu.memory_space<vmem>>, %arg6: memref<1x128xf32, #tpu.memory_space<vmem>>, %arg7: memref<1x64xf32, #tpu.memory_space<vmem>>, %arg8: memref<2000x64xf32, #tpu.memory_space<vmem>>) attributes {dimension_semantics = [#tpu.dimension_semantics<arbitrary>], iteration_bounds = array<i64: 5>, scalar_prefetch = 0 : i64, scratch_operands = 0 : i64, tpu.core_type = #tpu.core_type<tc>, window_params = [{transform_indices = @transform_0, window_bounds = array<i64: 2000, 64>}, {transform_indices = @transform_1, window_bounds = array<i64: 2000, 64>}, {transform_indices = @transform_2, window_bounds = array<i64: 2000, 64>}, {transform_indices = @transform_3, window_bounds = array<i64: 2000, 2>}, {pipeline_mode = #tpu.pipeline_mode<synchronous>, transform_indices = @transform_4, window_bounds = array<i64: 64, 128>}, {pipeline_mode = #tpu.pipeline_mode<synchronous>, transform_indices = @transform_5, window_bounds = array<i64: 1, 128>}, {pipeline_mode = #tpu.pipeline_mode<synchronous>, transform_indices = @transform_6, window_bounds = array<i64: 1, 64>}, {transform_indices = @transform_7, window_bounds = array<i64: 2000, 64>}]} {
    %get3A = arith.constant 0 : index
    %get3A_0 = arith.constant 0 : index
    %get3A_1 = vector.load %arg4[%get3A, %get3A_0] : memref<2000x2xf32, #tpu.memory_space<vmem>>, vector<2000x2xf32>
    %reduce_sum3A = arith.constant dense<0.000000e+00> : vector<2000xf32>
    %reduce_sum3A_2 = vector.multi_reduction <add>, %get3A_1, %reduce_sum3A [1] : vector<2000x2xf32> to vector<2000xf32>
    %broadcast_in_dim3A = vector.shape_cast %reduce_sum3A_2 : vector<2000xf32> to vector<2000x1xf32>
    %add3A = arith.constant 1.000000e+00 : f32
    %add3A_3 = vector.broadcast %add3A : f32 to vector<2000x1xf32>
    %add3A_4 = arith.addf %broadcast_in_dim3A, %add3A_3 : vector<2000x1xf32>
    %rsqrt3A = math.rsqrt %add3A_4 : vector<2000x1xf32>
    %get3A_5 = arith.constant 0 : index
    %get3A_6 = arith.constant 0 : index
    %get3A_7 = vector.load %arg6[%get3A_5, %get3A_6] : memref<1x128xf32, #tpu.memory_space<vmem>>, vector<1x128xf32>
    %get3A_8 = arith.constant 0 : index
    %get3A_9 = arith.constant 0 : index
    %get3A_10 = vector.load %arg5[%get3A_8, %get3A_9] : memref<64x128xf32, #tpu.memory_space<vmem>>, vector<64x128xf32>
    %dot_general3A = arith.constant dense<0.000000e+00> : vector<1x64xf32>
    %dot_general3A_11 = tpu.matmul %get3A_7, %get3A_10, %dot_general3A {dimension_numbers = #tpu.dot_dimension_numbers<[1], [1], [0], [0], [0, 0, 1, 0], [], []>, precision = #tpu.contract_precision<fp32>, transpose_lhs_hint = false} : vector<1x128xf32>, vector<64x128xf32>, vector<1x64xf32> -> vector<1x64xf32>
    %get3A_12 = arith.constant 0 : index
    %get3A_13 = arith.constant 0 : index
    %get3A_14 = vector.load %arg1[%get3A_12, %get3A_13] : memref<2000x64xf32, #tpu.memory_space<vmem>>, vector<2000x64xf32>
    %get3A_15 = arith.constant 0 : index
    %get3A_16 = arith.constant 0 : index
    %get3A_17 = vector.load %arg2[%get3A_15, %get3A_16] : memref<2000x64xf32, #tpu.memory_space<vmem>>, vector<2000x64xf32>
    %add3A_18 = arith.addf %get3A_14, %get3A_17 : vector<2000x64xf32>
    %get3A_19 = arith.constant 0 : index
    %get3A_20 = arith.constant 0 : index
    %get3A_21 = vector.load %arg3[%get3A_19, %get3A_20] : memref<2000x64xf32, #tpu.memory_space<vmem>>, vector<2000x64xf32>
    %add3A_22 = arith.addf %add3A_18, %get3A_21 : vector<2000x64xf32>
    %mul3A = vector.broadcast %rsqrt3A : vector<2000x1xf32> to vector<2000x64xf32>
    %mul3A_23 = arith.mulf %mul3A, %add3A_22 : vector<2000x64xf32>
    %get3A_24 = arith.constant 0 : index
    %get3A_25 = arith.constant 0 : index
    %get3A_26 = vector.load %arg7[%get3A_24, %get3A_25] : memref<1x64xf32, #tpu.memory_space<vmem>>, vector<1x64xf32>
    %add3A_27 = arith.addf %dot_general3A_11, %get3A_26 : vector<1x64xf32>
    %add3A_28 = vector.broadcast %add3A_27 : vector<1x64xf32> to vector<2000x64xf32>
    %add3A_29 = arith.addf %mul3A_23, %add3A_28 : vector<2000x64xf32>
    %swap3A = arith.constant 0 : index
    %swap3A_30 = arith.constant 0 : index
    %swap3A_31 = vector.load %arg8[%swap3A, %swap3A_30] : memref<2000x64xf32, #tpu.memory_space<vmem>>, vector<2000x64xf32>
    tpu.vector_store %arg8[%swap3A, %swap3A_30], %add3A_29 {strides = array<i32>} : memref<2000x64xf32, #tpu.memory_space<vmem>>, vector<2000x64xf32>,
    return
  }
  func.func @transform_0(%arg0: i32) -> (i32, i32) {
    %c0_i32 = arith.constant 0 : i32
    %c0_i32_0 = arith.constant 0 : i32
    return %arg0, %c0_i32 : i32, i32
  }
  func.func @transform_1(%arg0: i32) -> (i32, i32) {
    %c0_i32 = arith.constant 0 : i32
    %c0_i32_0 = arith.constant 0 : i32
    return %arg0, %c0_i32 : i32, i32
  }
  func.func @transform_2(%arg0: i32) -> (i32, i32) {
    %c0_i32 = arith.constant 0 : i32
    %c0_i32_0 = arith.constant 0 : i32
    return %arg0, %c0_i32 : i32, i32
  }
  func.func @transform_3(%arg0: i32) -> (i32, i32) {
    %c0_i32 = arith.constant 0 : i32
    %c0_i32_0 = arith.constant 0 : i32
    return %arg0, %c0_i32 : i32, i32
  }
  func.func @transform_4(%arg0: i32) -> (i32, i32) {
    %c0_i32 = arith.constant 0 : i32
    %c0_i32_0 = arith.constant 0 : i32
    %c0_i32_1 = arith.constant 0 : i32
    return %c0_i32, %c0_i32_0 : i32, i32
  }
  func.func @transform_5(%arg0: i32) -> (i32, i32) {
    %c0_i32 = arith.constant 0 : i32
    %c0_i32_0 = arith.constant 0 : i32
    %c0_i32_1 = arith.constant 0 : i32
    return %c0_i32, %c0_i32_0 : i32, i32
  }
  func.func @transform_6(%arg0: i32) -> (i32, i32) {
    %c0_i32 = arith.constant 0 : i32
    %c0_i32_0 = arith.constant 0 : i32
    %c0_i32_1 = arith.constant 0 : i32
    return %c0_i32, %c0_i32_0 : i32, i32
  }
  func.func @transform_7(%arg0: i32) -> (i32, i32) {
    %c0_i32 = arith.constant 0 : i32
    %c0_i32_0 = arith.constant 0 : i32
    return %arg0, %c0_i32 : i32, i32
  }
}

</mosaic_0001>

<sc_bundles>
// kernel: kernel.6.cloned.1.call-start
scs
__scs_entry_jumppad:
0x0: {  	(pc) =	sbr.rel $0x88, $3  }
0x1: {  	(tag) =	ssettag $0x0;
	lr =	simm.s32 $0x1  }
0x2: {  	[smem:$0x3F9B] =	sst lr;
	_ =	strace $0xD0000000  }
0x3: {  	_ = 	snop  }
0x4: {  	_ = 	snop  }
0x5: {  	_ = 	snop  }
0x6: {  	_ = 	snop  }
0x7: {  	_ = 	snop  }
__scs_overlays_trampoline_lowered:
0x8: {  	[smem:$0x3FAA] =	sst s0  }
0x9: {  	[smem:$0x3FAB] =	sst s1  }
0xa: {  	[smem:$0x3FAC] =	sst s2  }
0xb: {  	[smem:$0x3FAD] =	sst s3  }
0xc: {  	[smem:$0x3FAE] =	sst s4  }
0xd: {  	[smem:$0x3FAF] =	sst s5  }
0xe: {  	[smem:$0x3FB0] =	sst s6  }
0xf: {  	[smem:$0x3FB1] =	sst s7  }
0x10: {  	[smem:$0x3FB2] =	sst s8  }
0x11: {  	[smem:$0x3FB3] =	sst s9;
	s0 =	simm.s32 @!p0 $0x0  }
0x12: {  	s1 =	sld [smem:$0x3F99];
	s0 =	simm.s32 @p0 $0x1  }
0x13: {  	[smem:$0x3FB4] =	sst s0;
	s0 =	simm.s32 @!p1 $0x0  }
0x14: {  	s2 =	sld [smem:$0x3F98];
	s0 =	simm.s32 @p1 $0x1  }
0x15: {  	[smem:$0x3FB5] =	sst s0;
	s0 =	simm.s32 @!p2 $0x0  }
0x16: {  	s3 =	sld [smem:$0x3FDB];
	s0 =	simm.s32 @p2 $0x1  }
0x17: {  	s4 =	simm.s32 $0x1BF5;
	[smem:$0x3FB7] =	sst s0  }
0x18: {  	s0 =	sld [smem:$0x3F9A];
	_ =	swait.ge [sflag:s4], $0x0  }
0x19: {  	s7 =	sld [smem:$0x3F9B]  }
0x1a: {  	s8 =	sadd.s32 $0xFFFFE003, lr  }
0x1b: {  	s9 =	sadd.s32 $0xFFFFFEF7, lr;
	s5 =	simm.s32 $0xFFFFFFFF;
	p2 =	slt.u32 s8, $0xFFFFF086  }
0x1c: {  	p1 =	slt.u32 s9, $0xF7A;
	s5 =	simm.s32 @!p2 $0x0  }
0x1d: {  	s5 =	simm.s32 @p1 $0x1;
	p0 =	seq.s32 s7, s2  }
0x1e: {  	s7 =	smul.u32 @!p0 $0xF7A, s2;
	p2 =	seq.s32 @!p0 s5, $0x0  }
0x1f: {  	s9 =	smul.u32 $0xF7A, s1;
	s8 =	simm.s32 @!p0 $0x1BF5;
	p2 =	por !p2, p0  }
0x20: {  	[sflag:s8] =	ssyncset.s32 @!p0 $0xFFFFF086;
	s6 =	sadd.s32 @!p0 s3, s7;
	s7 =	simm.s32 @!p0 $0x108  }
0x21: {  	s3 =	sadd.s32 s3, s9;
	s6 =	sadd.s32 @!p0 $0x88, s6;
	s7 =	simm.s32 @p2 $0x1082  }
0x22: {  	[simem:s7], [sflag:s8] =	dma.local @!p0 [hbm:s6], $0xF7A  }
0x23: {  	s9 =	sor.u32 $0xD0000000, s2;
	s6 =	simm.s32 $0x108;
	_ =	swait.ge @!p0 [sflag:s8], $0x0  }
0x24: {  	s3 =	sadd.s32 $0x88, s3;
	s6 =	simm.s32 @!p1 $0x1082;
	[sflag:s4] =	ssyncset.s32 $0xFFFFF086  }
0x25: {  	[simem:s6], [sflag:s4] =	dma.local [hbm:s3], $0xF7A  }
0x26: {  	[smem:$0x3F9B] =	sst s1;
	(tag) =	ssettag s2;
	_ =	strace s9  }
0x27: {  	s1 =	sld [smem:$0x3FAB]  }
0x28: {  	s2 =	sld [smem:$0x3FAC]  }
0x29: {  	s4 =	sld [smem:$0x3FAE]  }
0x2a: {  	p0 =	seq.s32 s5, $0x0;
	s5 =	sld [smem:$0x3FAF]  }
0x2b: {  	s6 =	sld [smem:$0x3FB0]  }
0x2c: {  	s7 =	sld [smem:$0x3FB1]  }
0x2d: {  	s3 =	simm.s32 $0x108;
	s8 =	sld [smem:$0x3FB2]  }
0x2e: {  	s3 =	simm.s32 @!p0 $0x1082;
	s9 =	sld [smem:$0x3FB3]  }
0x2f: {  	lr =	sadd.s32 s0, s3;
	s0 =	sld [smem:$0x3FAA]  }
0x30: {  	s3 =	sld [smem:$0x3FAD]  }
0x31: {  	[smem:$0x3FB6] =	sst s10  }
0x32: {  	s10 =	sld [smem:$0x3FB4];
	_ =	sdelay $0x3  }
0x33: {  	p0 =	seq.s32 s10, $0x1;
	s10 =	sld [smem:$0x3FB6];
	_ =	sdelay $0x3  }
0x34: {  	[smem:$0x3FB6] =	sst s10  }
0x35: {  	s10 =	sld [smem:$0x3FB5];
	_ =	sdelay $0x3  }
0x36: {  	p1 =	seq.s32 s10, $0x1;
	s10 =	sld [smem:$0x3FB6];
	_ =	sdelay $0x3  }
0x37: {  	[smem:$0x3FB6] =	sst s10  }
0x38: {  	s10 =	sld [smem:$0x3FB7]  }
0x39: {  	_ = 	snop;
	(pc) =	sbr.ind lr, $3  }
0x3a: {  	_ = 	snop  }
0x3b: {  	_ = 	snop  }
0x3c: {  	p2 =	seq.s32 s10, $0x1;
	s10 =	sld [smem:$0x3FB6]  }
0x3d: {  	_ =	shalt  }
0x3e: {  	_ =	shalt  }
0x3f: {  	_ =	shalt  }
0x40: {  	_ =	shalt  }
0x41: {  	_ =	shalt  }
0x42: {  	_ =	shalt  }
0x43: {  	_ =	shalt  }
0x44: {  	_ =	shalt  }
0x45: {  	_ =	shalt  }
0x46: {  	_ =	shalt  }
0x47: {  	_ =	shalt  }
0x48: {  	_ =	shalt  }
0x49: {  	_ =	shalt  }
0x4a: {  	_ =	shalt  }
0x4b: {  	_ =	shalt  }
0x4c: {  	_ =	shalt  }
0x4d: {  	_ =	shalt  }
0x4e: {  	_ =	shalt  }
0x4f: {  	_ =	shalt  }
0x50: {  	_ =	shalt  }
0x51: {  	_ =	shalt  }
0x52: {  	_ =	shalt  }
0x53: {  	_ =	shalt  }
0x54: {  	_ =	shalt  }
0x55: {  	_ =	shalt  }
0x56: {  	_ =	shalt  }
0x57: {  	_ =	shalt  }
0x58: {  	_ =	shalt  }
0x59: {  	_ =	shalt  }
0x5a: {  	_ =	shalt  }
0x5b: {  	_ =	shalt  }
0x5c: {  	_ =	shalt  }
0x5d: {  	_ =	shalt  }
0x5e: {  	_ =	shalt  }
0x5f: {  	_ =	shalt  }
0x60: {  	_ =	shalt  }
0x61: {  	_ =	shalt  }
0x62: {  	_ =	shalt  }
0x63: {  	_ =	shalt  }
0x64: {  	_ =	shalt  }
0x65: {  	_ =	shalt  }
0x66: {  	_ =	shalt  }
0x67: {  	_ =	shalt  }
0x68: {  	_ =	shalt  }
0x69: {  	_ =	shalt  }
0x6a: {  	_ =	shalt  }
0x6b: {  	_ =	shalt  }
0x6c: {  	_ =	shalt  }
0x6d: {  	_ =	shalt  }
0x6e: {  	_ =	shalt  }
0x6f: {  	_ =	shalt  }
0x70: {  	_ =	shalt  }
0x71: {  	_ =	shalt  }
0x72: {  	_ =	shalt  }
0x73: {  	_ =	shalt  }
0x74: {  	_ =	shalt  }
0x75: {  	_ =	shalt  }
0x76: {  	_ =	shalt  }
0x77: {  	_ =	shalt  }
0x78: {  	_ =	shalt  }
0x79: {  	_ =	shalt  }
0x7a: {  	_ =	shalt  }
0x7b: {  	_ =	shalt  }
0x7c: {  	_ =	shalt  }
0x7d: {  	_ =	shalt  }
0x7e: {  	_ =	shalt  }
0x7f: {  	_ =	shalt  }
0x80: {  	_ =	shalt  }
0x81: {  	_ =	shalt  }
0x82: {  	_ =	shalt  }
0x83: {  	_ =	shalt  }
0x84: {  	_ =	shalt  }
0x85: {  	_ =	shalt  }
0x86: {  	_ =	shalt  }
0x87: {  	_ =	shalt  }
.Lfunc_end0:
.L_simem_size_0:
called_computation_lowered:
.L_overlay_start_0:
0x88: {  	s2 =	sld [smem:$0x3FD9]  }
0x89: {  	s3 =	sld [smem:$0x3FFE];
	_ =	sdelay $0x1  }
0x8a: {  	s1 =	srdreg.scid  }
0x8b: {  	s0 =	sand.u32 $0x1, s1  }
0x8c: {  	s17 =	sshll.u32 s0, $0xA;
	s2 =	sadd.s32 s3, s2  }
0x8d: {  	s2 =	sadd.s32 s2, s17  }
0x8e: {  	[smem:$0x3FC2] =	sst s2  }
0x8f: {  	_ = 	snop  }
0x90: {  	s2 =	sld [smem:$0x3FD0];
	(tm) =	ssettm $0x1  }
0x91: {  	s18 =	sld [smem:$0x3FFB];
	_ =	sdelay $0x3  }
0x92: {  	_ =	strace s18  }
0x93: {  	s3 =	sld [smem:$0x3FFC];
	_ =	sdelay $0x3  }
0x94: {  	_ =	strace s3  }
0x95: {  	s3 =	sld [smem:$0x3FFD];
	_ =	sdelay $0x3  }
0x96: {  	_ =	strace s3  }
0x97: {  	_ =	strace $0x8FFFFFFF  }
0x98: {  	s19 =	sld [smem:$0x3FDB];
	_ =	sdelay $0x1  }
0x99: {  	s4 =	simm.s32 $_scs_section_size  }
0x9a: {  	s5 =	simm.s32 $_size__tile_overlayer_lowered;
	s6 =	simm.s32 $_tile_overlayer_lowered  }
0x9b: {  	s22 =	simm.s32 $0x1BFF;
	s21 =	sshll.u32 s6, $0x1;
	s3 =	sadd.s32 s4, s19  }
0x9c: {  	s7 =	simm.s32 $0x0;
	s20 =	sshll.u32 s5, $0x1;
	s5 =	sadd.s32 s21, s3  }
0x9d: {  	[timem:s7], [sflag:s22] =	dma.local [hbm:s5], s20  }
0x9e: {  	_ =	swait.ge [sflag:s22], s20  }
0x9f: {  	s4 =	ssub.s32 $0x0, s20;
	[sflag:s22] =	ssyncset.done $0x0  }
0xa0: {  	[sflag:s22] =	ssyncadd.s32 s4;
	_ =	sdelay $0x1  }
0xa1: {  	s23 =	simm.s32 $0x1B8B  }
0xa2: {  	_ =	swait.ge [sflag:s23], $0x1  }
0xa3: {  	[sflag:s23] =	ssyncset.done $0x0  }
0xa4: {  	s25 =	simm.s32 $0x1B8E;
	s24 =	sld [smem:$0x3FFE];
	[sflag:s23] =	ssyncadd.s32 $0xFFFFFFFF  }
0xa5: {  	s26 =	simm.s32 $execute0_lowered;
	[smem:$0x3FD2] =	sst s25  }
0xa6: {  	s5 =	sshll.u32 s26, $0x1;
	_ =	strace $0x80000046;
	[dreg:$0x1] =	wrdreg $0xFFFFFFFF  }
0xa7: {  	s28 =	simm.s32 $_size_execute0_lowered;
	s3 =	sadd.s32 s3, s5;
	[dreg:$0x0] =	wrdreg $0x0  }
0xa8: {  	s5 =	sshll.u32 s28, $0x1;
	[dreg:$0x2] =	wrdreg s3  }
0xa9: {  	[dreg:$0x3] =	wrdreg s5  }
0xaa: {  	[dreg:$0x4] =	wrdreg $0xC0  }
0xab: {  	_ =	task [dreg:s7], $0x5FFFF  }
0xac: {  	[dreg:$0x1] =	wrdreg $0xFFFFFFFF  }
0xad: {  	[dreg:$0x0] =	wrdreg $0x60  }
0xae: {  	[dreg:$0x2] =	wrdreg s24  }
0xaf: {  	[dreg:$0x3] =	wrdreg s2  }
0xb0: {  	[dreg:$0x4] =	wrdreg $0x2A800  }
0xb1: {  	[dreg:$0x5] =	wrdreg $0x9  }
0xb2: {  	_ =	task.clear_ibuf [dreg:s7], $0x6FFFF;
	_ =	strace $0x90000046  }
0xb3: {  	s29 =	simm.s32 $0x9;
	_ =	strace $0x80000048  }
0xb4: {  	_ =	swait.ge [sflag:s29], $0x1  }
0xb5: {  	[sflag:s29] =	ssyncadd.s32 $0xFFFFFFFF  }
0xb6: {  	_ =	strace $0x90000048  }
0xb7: {  	_ =	sfence  }
0xb8: {  	s30 =	sld [smem:$0x0];
	_ =	sdelay $0x2  }
0xb9: {  	s31 =	sshll.u32 s1, $0xD;
	s1 =	sshrl.u32 s1, $0x2  }
0xba: {  	s3 =	sand.u32 $0x4000, s31;
	s1 =	sadd.s32 s1, s30  }
0xbb: {  	s0 =	sor.u32 s3, s0;
	s1 =	sshll.u32 s1, $0x11  }
0xbc: {  	s0 =	sor.u32 s1, s0  }
0xbd: {  	s0 =	sadd.s32 $0x8F2B, s0  }
0xbe: {  	[sflag:s0] =	ssyncadd.remote.s32 $0x1  }
0xbf: {  	_ =	sfence.sel $0xFFFF  }
0xc0: {  	[dreg:$0x0] =	wrdreg $0xFFFFFFFF;
	(pc) =	sbr.abs _section_cstart, $3  }
0xc1: {  	[dreg:$0x1] =	wrdreg $0xFFFFFFFF  }
0xc2: {  	_ =	task.clear_ibuf [dreg:s7], $0x2FFFF;
	_ =	strace $0x9FFFFFFF  }
0xc3: {  	(tm) =	ssettm $0x7FFFFFFF  }
tec
execute0_lowered:
.L_overlay_start_1:
0x0: {  	(tag) =	ssettag $0x1  }
0x1: {  	s5 =	rddreg [dreg:$0x0]  }
0x2: {  	s7 =	rddreg [dreg:$0x1]  }
0x3: {  	s0 =	srdreg.scid;
	s2 =	rddreg [dreg:$0x2];
	s3 =	simm.s32 $0x0  }
0x4: {  	s11 =	simm.s32 $0x80;
	s12 =	simm.s32 $0x2780;
	s13 =	simm.s32 $0x1  }
0x5: {  	s14 =	simm.s32 $0x0;
	s4 =	sand.u32 $0x1, s0;
	s0 =	stileid.u32  }
0x6: {  	[smem:$0x7FF] =	sst s3;
	s1 =	sshll.u32 s4, $0x4;
	s8 =	smul.u32 $0x280, s0  }
0x7: {  	s9 =	smul.u32 $0x2800, s4;
	s10 =	ssub.s32 $0x2, s4;
	s1 =	sor.u32 s0, s1  }
0x8: {  	s4 =	sadd.s32 $0xB200, s5;
	s30 =	sshrl.u32 s10, $0x1;
	s6 =	smul.u32 $0x4F0, s1  }
0x9: {  	s1 =	rddreg [dreg:$0x3];
	_ =	strace $0x80000047;
	s9 =	sadd.s32 s8, s9  }
0xa: {  	s10 =	ssub.s32 s10, s30;
	s31 =	sshrl.u32 s9, $0x3;
	s9 =	simm.s32 $0x2800  }
0xb: {  	s6 =	sadd.s32 s6, s5;
	s5 =	sadd.s32 s8, s2;
	s7 =	sadd.s32 s7, s31  }
0xc: {  	v0 =	vimm.f32 $1.000000000e+00;
	s8 =	smax.u32 s10, $0x1;
	s10 =	simm.s32 $0x2;
	s6 =	sadd.s32 $0x1400, s6  }
.LBB2_1:
0xd: {  	[tilespmem:s9], [sflag:$0x2] =	stream.linear.gather [hbm4b:s4+s3], $0x280, $0x38;
	[tilespmem:$0x2D00] =	vst v63  }
0xe: {  	_ =	swait.ge [sflag:s10], $0x280  }
0xf: {  	[sflag:s10] =	ssyncset.done $0x0  }
0x10: {  	[sflag:s10] =	ssyncadd.s32 $0xFFFFFD80  }
0x11: {  	[spmem:s5] =	stream.linear.scatter [tilespmem:s9], [sflag:$0x2], $0x280, $0x38;
	[tilespmem:$0x2D00] =	vst v63  }
0x12: {  	_ =	swait.ge [sflag:s10], $0x280  }
0x13: {  	[sflag:s10] =	ssyncset.done $0x0  }
0x14: {  	[sflag:s10] =	ssyncadd.s32 $0xFFFFFD80  }
0x15: {  	[tilespmem:$0x2780] =	vst v0  }
0x16: {  	[tilespmem:$0x2790] =	vst v0  }
0x17: {  	[tilespmem:$0x27A0] =	vst v0  }
0x18: {  	[tilespmem:$0x27B0] =	vst v0  }
0x19: {  	[tilespmem:$0x27C0] =	vst v0  }
0x1a: {  	[tilespmem:$0x27D0] =	vst v0  }
0x1b: {  	[tilespmem:$0x27E0] =	vst v0  }
0x1c: {  	[tilespmem:$0x27F0] =	vst v0  }
0x1d: {  	[tilespmem:s3], [sflag:$0x2] =	stream.linear.gather [hbm4b:s6+s3], $0x2780, $0x38;
	[tilespmem:$0x2D00] =	vst v63  }
0x1e: {  	_ =	swait.ge [sflag:s10], $0x2780  }
0x1f: {  	[sflag:s10] =	ssyncset.done $0x0  }
0x20: {  	p0 =	por $0x1, $0x1;
	[sflag:s10] =	ssyncadd.s32 $0xFFFFD880  }
0x21: {  	s16 =	simm.s32 @!p0 $0x1;
	[bflag:$0x0] =	sbarrier.arrive $0xFFFF  }
0x22: {  	_ =	swait.ge @!p0 [sflag:s16], $0x80  }
0x23: {  	s15 =	simm.s32 $0x1;
	[sflag:s16] =	ssyncset.done @!p0 $0x0  }
0x24: {  	s17 =	simm.s32 $0x0;
	[sflag:s16] =	ssyncadd.s32 @!p0 $0xFFFFFF80;
	s16 =	simm.s32 $0x80  }
.LBB2_2:
0x25: {  	[spmem:s2] =	stream.indirect.scatter.add.f32 [tilespmem:s12], [sflag:$0x1], $0x1, s17, s11, $0xb8;
	[tilespmem:$0x2D00] =	vst v63  }
0x26: {  	p0 =	slt.u32 s15, $0x8;
	s15 =	sadd.s32 $0x1, s15  }
0x27: {  	p1 =	sne.s32 s15, $0x4F  }
.Ltmp0:
0x28: {  	(pc) =	sbr.rel @p1 .LBB2_2-.Ltmp0, $4  }
0x29: {  	s17 =	smov.u32 s16;
	s18 =	simm.s32 @!p0 $0x1  }
0x2a: {  	_ =	swait.ge @!p0 [sflag:s18], $0x80  }
0x2b: {  	[sflag:s18] =	ssyncset.done @!p0 $0x0  }
0x2c: {  	s16 =	sadd.s32 $0x80, s16;
	[sflag:s18] =	ssyncadd.s32 @!p0 $0xFFFFFF80  }
0x2d: {  	[spmem:s2] =	stream.indirect.scatter.add.f32 [tilespmem:s12], [sflag:$0x1], $0x1, s17, s11, $0xb8;
	[tilespmem:$0x2D00] =	vst v63  }
0x2e: {  	_ =	swait.ge [sflag:s13], $0x80  }
0x2f: {  	[sflag:s13] =	ssyncset.done $0x0  }
0x30: {  	[sflag:s13] =	ssyncadd.s32 $0xFFFFFF80  }
0x31: {  	_ =	swait.ge [sflag:s13], $0x80  }
0x32: {  	[sflag:s13] =	ssyncset.done $0x0  }
0x33: {  	[sflag:s13] =	ssyncadd.s32 $0xFFFFFF80  }
0x34: {  	_ =	swait.ge [sflag:s13], $0x80  }
0x35: {  	[sflag:s13] =	ssyncset.done $0x0  }
0x36: {  	[sflag:s13] =	ssyncadd.s32 $0xFFFFFF80  }
0x37: {  	_ =	swait.ge [sflag:s13], $0x80  }
0x38: {  	[sflag:s13] =	ssyncset.done $0x0  }
0x39: {  	[sflag:s13] =	ssyncadd.s32 $0xFFFFFF80  }
0x3a: {  	_ =	swait.ge [sflag:s13], $0x80  }
0x3b: {  	[sflag:s13] =	ssyncset.done $0x0  }
0x3c: {  	[sflag:s13] =	ssyncadd.s32 $0xFFFFFF80  }
0x3d: {  	_ =	swait.ge [sflag:s13], $0x80  }
0x3e: {  	[sflag:s13] =	ssyncset.done $0x0  }
0x3f: {  	[sflag:s13] =	ssyncadd.s32 $0xFFFFFF80  }
0x40: {  	_ =	swait.ge [sflag:s13], $0x80  }
0x41: {  	[sflag:s13] =	ssyncset.done $0x0  }
0x42: {  	[sflag:s13] =	ssyncadd.s32 $0xFFFFFF80  }
0x43: {  	_ =	swait.ge [sflag:s13], $0x80  }
0x44: {  	[sflag:s13] =	ssyncset.done $0x0  }
0x45: {  	[sflag:s13] =	ssyncadd.s32 $0xFFFFFF80  }
0x46: {  	[bflag:$0x0] =	sbarrier.arrive $0xFFFF  }
0x47: {  	[tilespmem:s9], [sflag:$0x2] =	stream.linear.gather [spmem:s5], $0x280, $0x38;
	[tilespmem:$0x2D00] =	vst v63  }
0x48: {  	s14 =	sadd.s32 $0x1, s14;
	_ =	swait.ge [sflag:s10], $0x280  }
0x49: {  	p0 =	sne.s32 s14, s8;
	[sflag:s10] =	ssyncset.done $0x0  }
.Ltmp1:
0x4a: {  	[sflag:s10] =	ssyncadd.s32 $0xFFFFFD80;
	(pc) =	sbr.rel @p0 .LBB2_1-.Ltmp1, $4  }
0x4b: {  	[hbm4b:s7+s3] =	stream.linear.scatter [tilespmem:s9], [sflag:$0x2], $0x280, $0x38;
	[tilespmem:$0x2D00] =	vst v63  }
0x4c: {  	_ =	swait.ge [sflag:s10], $0x280  }
0x4d: {  	[sflag:s10] =	ssyncset.done $0x0  }
0x4e: {  	[sflag:s10] =	ssyncadd.s32 $0xFFFFFD80  }
0x4f: {  	_ =	sfence.sel $0x180000  }
0x50: {  	[bflag:$0x0] =	sbarrier.arrive $0xFFFF  }
0x51: {  	p0 =	sne.s32 s0, $0x0;
	_ =	strace $0x90000047  }
0x52: {  	s0 =	sadd.s32 @!p0 $0x100000, s1;
	[bflag:$0x2] =	sbarrier.arrive $0xFFFF  }
0x53: {  	[sflag:s0] =	ssyncadd.tile.s32 @!p0 $0x1;
	_ =	shalt  }
.Lfunc_end2:
_tile_overlayer_lowered:
.L_overlay_start_2:
0x54: {  	(tag) =	ssettag $0x2  }
0x55: {  	s0 =	rddreg [dreg:$0x0];
	s2 =	stileid.u32  }
0x56: {  	s1 =	rddreg [dreg:$0x1];
	p0 =	sne.s32 s2, $0x0  }
0x57: {  	s3 =	rddreg [dreg:$0x2];
	[bflag:$0x3] =	sbarrier.arrive $0xFFFF;
	s2 =	simm.s32 @!p0 $0x1C02  }
0x58: {  	[timem:s3], [sflag:s2] =	dma.local @!p0 [hbm:s0], s1  }
0x59: {  	s0 =	simm.s32 @!p0 $0x2  }
0x5a: {  	_ =	swait.ge @!p0 [sflag:s0], s1  }
0x5b: {  	s1 =	ssub.s32 @!p0 $0x0, s1;
	[sflag:s0] =	ssyncset.done @!p0 $0x0  }
0x5c: {  	[sflag:s0] =	ssyncadd.s32 @!p0 s1  }
0x5d: {  	[bflag:$0x3] =	sbarrier.arrive $0xFFFF  }
0x5e: {  	_ =	shalt  }

// kernel: kernel.9.cloned.1.call-start
scs
__scs_entry_jumppad:
0x0: {  	(pc) =	sbr.rel $0x88, $3  }
0x1: {  	(tag) =	ssettag $0x0;
	lr =	simm.s32 $0x1  }
0x2: {  	[smem:$0x3F9B] =	sst lr;
	_ =	strace $0xD0000000  }
0x3: {  	_ = 	snop  }
0x4: {  	_ = 	snop  }
0x5: {  	_ = 	snop  }
0x6: {  	_ = 	snop  }
0x7: {  	_ = 	snop  }
__scs_overlays_trampoline_lowered:
0x8: {  	[smem:$0x3FAA] =	sst s0  }
0x9: {  	[smem:$0x3FAB] =	sst s1  }
0xa: {  	[smem:$0x3FAC] =	sst s2  }
0xb: {  	[smem:$0x3FAD] =	sst s3  }
0xc: {  	[smem:$0x3FAE] =	sst s4  }
0xd: {  	[smem:$0x3FAF] =	sst s5  }
0xe: {  	[smem:$0x3FB0] =	sst s6  }
0xf: {  	[smem:$0x3FB1] =	sst s7  }
0x10: {  	[smem:$0x3FB2] =	sst s8  }
0x11: {  	[smem:$0x3FB3] =	sst s9;
	s0 =	simm.s32 @!p0 $0x0  }
0x12: {  	s1 =	sld [smem:$0x3F99];
	s0 =	simm.s32 @p0 $0x1  }
0x13: {  	[smem:$0x3FB4] =	sst s0;
	s0 =	simm.s32 @!p1 $0x0  }
0x14: {  	s2 =	sld [smem:$0x3F98];
	s0 =	simm.s32 @p1 $0x1  }
0x15: {  	[smem:$0x3FB5] =	sst s0;
	s0 =	simm.s32 @!p2 $0x0  }
0x16: {  	s3 =	sld [smem:$0x3FDB];
	s0 =	simm.s32 @p2 $0x1  }
0x17: {  	s4 =	simm.s32 $0x1BF5;
	[smem:$0x3FB7] =	sst s0  }
0x18: {  	s0 =	sld [smem:$0x3F9A];
	_ =	swait.ge [sflag:s4], $0x0  }
0x19: {  	s7 =	sld [smem:$0x3F9B]  }
0x1a: {  	s8 =	sadd.s32 $0xFFFFE003, lr  }
0x1b: {  	s9 =	sadd.s32 $0xFFFFFEF7, lr;
	s5 =	simm.s32 $0xFFFFFFFF;
	p2 =	slt.u32 s8, $0xFFFFF086  }
0x1c: {  	p1 =	slt.u32 s9, $0xF7A;
	s5 =	simm.s32 @!p2 $0x0  }
0x1d: {  	s5 =	simm.s32 @p1 $0x1;
	p0 =	seq.s32 s7, s2  }
0x1e: {  	s7 =	smul.u32 @!p0 $0xF7A, s2;
	p2 =	seq.s32 @!p0 s5, $0x0  }
0x1f: {  	s9 =	smul.u32 $0xF7A, s1;
	s8 =	simm.s32 @!p0 $0x1BF5;
	p2 =	por !p2, p0  }
0x20: {  	[sflag:s8] =	ssyncset.s32 @!p0 $0xFFFFF086;
	s6 =	sadd.s32 @!p0 s3, s7;
	s7 =	simm.s32 @!p0 $0x108  }
0x21: {  	s3 =	sadd.s32 s3, s9;
	s6 =	sadd.s32 @!p0 $0x88, s6;
	s7 =	simm.s32 @p2 $0x1082  }
0x22: {  	[simem:s7], [sflag:s8] =	dma.local @!p0 [hbm:s6], $0xF7A  }
0x23: {  	s9 =	sor.u32 $0xD0000000, s2;
	s6 =	simm.s32 $0x108;
	_ =	swait.ge @!p0 [sflag:s8], $0x0  }
0x24: {  	s3 =	sadd.s32 $0x88, s3;
	s6 =	simm.s32 @!p1 $0x1082;
	[sflag:s4] =	ssyncset.s32 $0xFFFFF086  }
0x25: {  	[simem:s6], [sflag:s4] =	dma.local [hbm:s3], $0xF7A  }
0x26: {  	[smem:$0x3F9B] =	sst s1;
	(tag) =	ssettag s2;
	_ =	strace s9  }
0x27: {  	s1 =	sld [smem:$0x3FAB]  }
0x28: {  	s2 =	sld [smem:$0x3FAC]  }
0x29: {  	s4 =	sld [smem:$0x3FAE]  }
0x2a: {  	p0 =	seq.s32 s5, $0x0;
	s5 =	sld [smem:$0x3FAF]  }
0x2b: {  	s6 =	sld [smem:$0x3FB0]  }
0x2c: {  	s7 =	sld [smem:$0x3FB1]  }
0x2d: {  	s3 =	simm.s32 $0x108;
	s8 =	sld [smem:$0x3FB2]  }
0x2e: {  	s3 =	simm.s32 @!p0 $0x1082;
	s9 =	sld [smem:$0x3FB3]  }
0x2f: {  	lr =	sadd.s32 s0, s3;
	s0 =	sld [smem:$0x3FAA]  }
0x30: {  	s3 =	sld [smem:$0x3FAD]  }
0x31: {  	[smem:$0x3FB6] =	sst s10  }
0x32: {  	s10 =	sld [smem:$0x3FB4];
	_ =	sdelay $0x3  }
0x33: {  	p0 =	seq.s32 s10, $0x1;
	s10 =	sld [smem:$0x3FB6];
	_ =	sdelay $0x3  }
0x34: {  	[smem:$0x3FB6] =	sst s10  }
0x35: {  	s10 =	sld [smem:$0x3FB5];
	_ =	sdelay $0x3  }
0x36: {  	p1 =	seq.s32 s10, $0x1;
	s10 =	sld [smem:$0x3FB6];
	_ =	sdelay $0x3  }
0x37: {  	[smem:$0x3FB6] =	sst s10  }
0x38: {  	s10 =	sld [smem:$0x3FB7]  }
0x39: {  	_ = 	snop;
	(pc) =	sbr.ind lr, $3  }
0x3a: {  	_ = 	snop  }
0x3b: {  	_ = 	snop  }
0x3c: {  	p2 =	seq.s32 s10, $0x1;
	s10 =	sld [smem:$0x3FB6]  }
0x3d: {  	_ =	shalt  }
0x3e: {  	_ =	shalt  }
0x3f: {  	_ =	shalt  }
0x40: {  	_ =	shalt  }
0x41: {  	_ =	shalt  }
0x42: {  	_ =	shalt  }
0x43: {  	_ =	shalt  }
0x44: {  	_ =	shalt  }
0x45: {  	_ =	shalt  }
0x46: {  	_ =	shalt  }
0x47: {  	_ =	shalt  }
0x48: {  	_ =	shalt  }
0x49: {  	_ =	shalt  }
0x4a: {  	_ =	shalt  }
0x4b: {  	_ =	shalt  }
0x4c: {  	_ =	shalt  }
0x4d: {  	_ =	shalt  }
0x4e: {  	_ =	shalt  }
0x4f: {  	_ =	shalt  }
0x50: {  	_ =	shalt  }
0x51: {  	_ =	shalt  }
0x52: {  	_ =	shalt  }
0x53: {  	_ =	shalt  }
0x54: {  	_ =	shalt  }
0x55: {  	_ =	shalt  }
0x56: {  	_ =	shalt  }
0x57: {  	_ =	shalt  }
0x58: {  	_ =	shalt  }
0x59: {  	_ =	shalt  }
0x5a: {  	_ =	shalt  }
0x5b: {  	_ =	shalt  }
0x5c: {  	_ =	shalt  }
0x5d: {  	_ =	shalt  }
0x5e: {  	_ =	shalt  }
0x5f: {  	_ =	shalt  }
0x60: {  	_ =	shalt  }
0x61: {  	_ =	shalt  }
0x62: {  	_ =	shalt  }
0x63: {  	_ =	shalt  }
0x64: {  	_ =	shalt  }
0x65: {  	_ =	shalt  }
0x66: {  	_ =	shalt  }
0x67: {  	_ =	shalt  }
0x68: {  	_ =	shalt  }
0x69: {  	_ =	shalt  }
0x6a: {  	_ =	shalt  }
0x6b: {  	_ =	shalt  }
0x6c: {  	_ =	shalt  }
0x6d: {  	_ =	shalt  }
0x6e: {  	_ =	shalt  }
0x6f: {  	_ =	shalt  }
0x70: {  	_ =	shalt  }
0x71: {  	_ =	shalt  }
0x72: {  	_ =	shalt  }
0x73: {  	_ =	shalt  }
0x74: {  	_ =	shalt  }
0x75: {  	_ =	shalt  }
0x76: {  	_ =	shalt  }
0x77: {  	_ =	shalt  }
0x78: {  	_ =	shalt  }
0x79: {  	_ =	shalt  }
0x7a: {  	_ =	shalt  }
0x7b: {  	_ =	shalt  }
0x7c: {  	_ =	shalt  }
0x7d: {  	_ =	shalt  }
0x7e: {  	_ =	shalt  }
0x7f: {  	_ =	shalt  }
0x80: {  	_ =	shalt  }
0x81: {  	_ =	shalt  }
0x82: {  	_ =	shalt  }
0x83: {  	_ =	shalt  }
0x84: {  	_ =	shalt  }
0x85: {  	_ =	shalt  }
0x86: {  	_ =	shalt  }
0x87: {  	_ =	shalt  }
.Lfunc_end0:
.L_simem_size_0:
called_computation.1_lowered:
.L_overlay_start_0:
0x88: {  	s2 =	sld [smem:$0x3FD9]  }
0x89: {  	s3 =	sld [smem:$0x3FFE];
	_ =	sdelay $0x1  }
0x8a: {  	s1 =	srdreg.scid  }
0x8b: {  	s0 =	sand.u32 $0x1, s1  }
0x8c: {  	s17 =	sshll.u32 s0, $0xA;
	s2 =	sadd.s32 s3, s2  }
0x8d: {  	s2 =	sadd.s32 s2, s17  }
0x8e: {  	[smem:$0x3FC2] =	sst s2  }
0x8f: {  	_ = 	snop  }
0x90: {  	s2 =	sld [smem:$0x3FD0];
	(tm) =	ssettm $0x1  }
0x91: {  	s18 =	sld [smem:$0x3FFB];
	_ =	sdelay $0x3  }
0x92: {  	_ =	strace s18  }
0x93: {  	s3 =	sld [smem:$0x3FFC];
	_ =	sdelay $0x3  }
0x94: {  	_ =	strace s3  }
0x95: {  	s3 =	sld [smem:$0x3FFD];
	_ =	sdelay $0x3  }
0x96: {  	_ =	strace s3  }
0x97: {  	_ =	strace $0x8FFFFFFF  }
0x98: {  	s19 =	sld [smem:$0x3FDB];
	_ =	sdelay $0x1  }
0x99: {  	s4 =	simm.s32 $_scs_section_size  }
0x9a: {  	s5 =	simm.s32 $_size__tile_overlayer_lowered;
	s6 =	simm.s32 $_tile_overlayer_lowered  }
0x9b: {  	s22 =	simm.s32 $0x1BFF;
	s21 =	sshll.u32 s6, $0x1;
	s3 =	sadd.s32 s4, s19  }
0x9c: {  	s7 =	simm.s32 $0x0;
	s20 =	sshll.u32 s5, $0x1;
	s5 =	sadd.s32 s21, s3  }
0x9d: {  	[timem:s7], [sflag:s22] =	dma.local [hbm:s5], s20  }
0x9e: {  	_ =	swait.ge [sflag:s22], s20  }
0x9f: {  	s4 =	ssub.s32 $0x0, s20;
	[sflag:s22] =	ssyncset.done $0x0  }
0xa0: {  	[sflag:s22] =	ssyncadd.s32 s4;
	_ =	sdelay $0x1  }
0xa1: {  	s23 =	simm.s32 $0x1B8B  }
0xa2: {  	_ =	swait.ge [sflag:s23], $0x1  }
0xa3: {  	[sflag:s23] =	ssyncset.done $0x0  }
0xa4: {  	s25 =	simm.s32 $0x1B8E;
	s24 =	sld [smem:$0x3FFE];
	[sflag:s23] =	ssyncadd.s32 $0xFFFFFFFF  }
0xa5: {  	s26 =	simm.s32 $execute0_lowered;
	[smem:$0x3FD2] =	sst s25  }
0xa6: {  	s5 =	sshll.u32 s26, $0x1;
	_ =	strace $0x80000049;
	[dreg:$0x1] =	wrdreg $0xFFFFFFFF  }
0xa7: {  	s28 =	simm.s32 $_size_execute0_lowered;
	s3 =	sadd.s32 s3, s5;
	[dreg:$0x0] =	wrdreg $0x0  }
0xa8: {  	s5 =	sshll.u32 s28, $0x1;
	[dreg:$0x2] =	wrdreg s3  }
0xa9: {  	[dreg:$0x3] =	wrdreg s5  }
0xaa: {  	[dreg:$0x4] =	wrdreg $0xC0  }
0xab: {  	_ =	task [dreg:s7], $0x5FFFF  }
0xac: {  	[dreg:$0x1] =	wrdreg $0xFFFFFFFF  }
0xad: {  	[dreg:$0x0] =	wrdreg $0x60  }
0xae: {  	[dreg:$0x2] =	wrdreg s2  }
0xaf: {  	[dreg:$0x3] =	wrdreg s24  }
0xb0: {  	[dreg:$0x4] =	wrdreg $0x11F000  }
0xb1: {  	[dreg:$0x5] =	wrdreg $0x9  }
0xb2: {  	_ =	task.clear_ibuf [dreg:s7], $0x6FFFF;
	_ =	strace $0x90000049  }
0xb3: {  	s29 =	simm.s32 $0x9;
	_ =	strace $0x8000004B  }
0xb4: {  	_ =	swait.ge [sflag:s29], $0x1  }
0xb5: {  	[sflag:s29] =	ssyncadd.s32 $0xFFFFFFFF  }
0xb6: {  	_ =	strace $0x9000004B  }
0xb7: {  	_ =	sfence  }
0xb8: {  	s30 =	sld [smem:$0x0];
	_ =	sdelay $0x2  }
0xb9: {  	s31 =	sshll.u32 s1, $0xD;
	s1 =	sshrl.u32 s1, $0x2  }
0xba: {  	s3 =	sand.u32 $0x4000, s31;
	s1 =	sadd.s32 s1, s30  }
0xbb: {  	s0 =	sor.u32 s3, s0;
	s1 =	sshll.u32 s1, $0x11  }
0xbc: {  	s0 =	sor.u32 s1, s0  }
0xbd: {  	s0 =	sadd.s32 $0x8F2B, s0  }
0xbe: {  	[sflag:s0] =	ssyncadd.remote.s32 $0x1  }
0xbf: {  	_ =	sfence.sel $0xFFFF  }
0xc0: {  	[dreg:$0x0] =	wrdreg $0xFFFFFFFF;
	(pc) =	sbr.abs _section_cstart, $3  }
0xc1: {  	[dreg:$0x1] =	wrdreg $0xFFFFFFFF  }
0xc2: {  	_ =	task.clear_ibuf [dreg:s7], $0x2FFFF;
	_ =	strace $0x9FFFFFFF  }
0xc3: {  	(tm) =	ssettm $0x7FFFFFFF  }
tec
execute0_lowered:
.L_overlay_start_1:
0x0: {  	(tag) =	ssettag $0x1  }
0x1: {  	s0 =	rddreg [dreg:$0x0]  }
0x2: {  	s1 =	srdreg.scid;
	s6 =	rddreg [dreg:$0x1]  }
0x3: {  	s3 =	rddreg [dreg:$0x2];
	s2 =	stileid.u32  }
0x4: {  	s4 =	simm.s32 $0x0;
	s14 =	simm.s32 $0x3;
	s15 =	simm.s32 $0x2780  }
0x5: {  	s16 =	simm.s32 $0x80;
	s17 =	simm.s32 $0x4F00;
	s19 =	simm.s32 $0x100  }
0x6: {  	s20 =	simm.s32 $0x8F00;
	s21 =	simm.s32 $0x180;
	s22 =	simm.s32 $0xAF00  }
0x7: {  	s23 =	simm.s32 $0x2;
	s24 =	simm.s32 $0x1;
	s25 =	simm.s32 $0x0  }
0x8: {  	s1 =	sand.u32 $0x1, s1;
	[smem:$0x7FF] =	sst s4;
	s8 =	smul.u32 $0xA000, s2  }
0x9: {  	s11 =	sadd.s32 $0x3DC00, s6;
	s5 =	sshll.u32 s1, $0x4;
	_ =	strace $0x8000004A  }
0xa: {  	s7 =	ssub.s32 $0x2, s1;
	s1 =	smul.u32 $0xA0000, s1;
	s5 =	sor.u32 s2, s5  }
0xb: {  	s10 =	sshrl.u32 s7, $0x1;
	s31 =	sadd.s32 $0x5000, s8;
	s5 =	smul.u32 $0x4F0, s5  }
0xc: {  	s12 =	ssub.s32 s7, s10;
	s13 =	sadd.s32 s8, s1;
	s1 =	sadd.s32 s1, s31  }
0xd: {  	s7 =	sadd.s32 s31, s3;
	s13 =	sshrl.u32 s13, $0x3;
	s1 =	sshrl.u32 s1, $0x3  }
0xe: {  	s12 =	smax.u32 s12, $0x1;
	s9 =	sadd.s32 s5, s6;
	s5 =	sadd.s32 $0x3D200, s6  }
0xf: {  	s6 =	sadd.s32 s8, s3;
	s10 =	sadd.s32 s11, s13;
	s11 =	sadd.s32 s11, s1  }
0x10: {  	s13 =	simm.s32 $0xCF00;
	s8 =	sadd.s32 $0xB400, s9;
	s9 =	sadd.s32 $0x1400, s9  }
.LBB2_1:
0x11: {  	[tilespmem:s13], [sflag:$0x3] =	stream.linear.gather [hbm4b:s5+s4], $0x5000, $0x38;
	[tilespmem:$0x1BF00] =	vst v63  }
0x12: {  	_ =	swait.ge [sflag:s14], $0x5000  }
0x13: {  	[sflag:s14] =	ssyncset.done $0x0  }
0x14: {  	[sflag:s14] =	ssyncadd.s32 $0xFFFFB000  }
0x15: {  	[spmem:s6] =	stream.linear.scatter [tilespmem:s13], [sflag:$0x3], $0x5000, $0x38;
	[tilespmem:$0x1BF00] =	vst v63  }
0x16: {  	_ =	swait.ge [sflag:s14], $0x5000  }
0x17: {  	[sflag:s14] =	ssyncset.done $0x0  }
0x18: {  	[sflag:s14] =	ssyncadd.s32 $0xFFFFB000  }
0x19: {  	[spmem:s7] =	stream.linear.scatter [tilespmem:s13], [sflag:$0x3], $0x5000, $0x38;
	[tilespmem:$0x1BF00] =	vst v63  }
0x1a: {  	_ =	swait.ge [sflag:s14], $0x5000  }
0x1b: {  	[sflag:s14] =	ssyncset.done $0x0  }
0x1c: {  	[sflag:s14] =	ssyncadd.s32 $0xFFFFB000  }
0x1d: {  	[tilespmem:s4], [sflag:$0x3] =	stream.linear.gather [hbm4b:s8+s4], $0x2780, $0x38;
	[tilespmem:$0x1BF00] =	vst v63  }
0x1e: {  	_ =	swait.ge [sflag:s14], $0x2780  }
0x1f: {  	[sflag:s14] =	ssyncset.done $0x0  }
0x20: {  	[sflag:s14] =	ssyncadd.s32 $0xFFFFD880  }
0x21: {  	[tilespmem:s15], [sflag:$0x3] =	stream.linear.gather [hbm4b:s9+s4], $0x2780, $0x38;
	[tilespmem:$0x1BF00] =	vst v63  }
0x22: {  	_ =	swait.ge [sflag:s14], $0x2780  }
0x23: {  	[sflag:s14] =	ssyncset.done $0x0  }
0x24: {  	[sflag:s14] =	ssyncadd.s32 $0xFFFFD880  }
0x25: {  	[bflag:$0x0] =	sbarrier.arrive $0xFFFF  }
0x26: {  	[tilespmem:s17], [sflag:$0x1] =	stream.indirect.gather [hbm4b:s0+s16], $0x40, s4, s16, $0xb8;
	[tilespmem:$0x1BF00] =	vst v63  }
0x27: {  	s1 =	simm.s32 $0x6F00  }
0x28: {  	[tilespmem:s1], [sflag:$0x1] =	stream.indirect.gather [hbm4b:s0+s16], $0x40, s16, s16, $0xb8;
	[tilespmem:$0x1BF00] =	vst v63  }
0x29: {  	_ = 	snop  }
0x2a: {  	[tilespmem:s20], [sflag:$0x1] =	stream.indirect.gather [hbm4b:s0+s16], $0x40, s19, s16, $0xb8;
	[tilespmem:$0x1BF00] =	vst v63  }
0x2b: {  	_ = 	snop  }
0x2c: {  	[tilespmem:s22], [sflag:$0x1] =	stream.indirect.gather [hbm4b:s0+s16], $0x40, s21, s16, $0xb8;
	[tilespmem:$0x1BF00] =	vst v63  }
0x2d: {  	_ =	swait.ge [sflag:s24], $0x2000  }
0x2e: {  	s26 =	simm.s32 $0x2800;
	p0 =	por $0x0, $0x0;
	[sflag:s24] =	ssyncset.done $0x0  }
0x2f: {  	s29 =	simm.s32 $0x200;
	s1 =	simm.s32 $0x20000;
	[sflag:s24] =	ssyncadd.s32 $0xFFFFE000  }
0x30: {  	[spmem:s3] =	stream.indirect.scatter.add.f32 [tilespmem:s17], [sflag:$0x2], $0x40, s15, s16, $0xb8;
	[tilespmem:$0x1BF00] =	vst v63  }
0x31: {  	s28 =	simm.s32 $0x2;
	s1 =	sand.u32 @!p0 $0x18000, s1;
	_ =	swait.ge [sflag:s23], $0x2000  }
0x32: {  	s30 =	simm.s32 $0x8000;
	s1 =	sshrl.u32 @!p0 s1, $0x2;
	[sflag:s23] =	ssyncset.done $0x0  }
0x33: {  	s31 =	simm.s32 @!p0 $0x80;
	s1 =	sadd.s32 @!p0 $0x4F00, s1;
	[sflag:s23] =	ssyncadd.s32 $0xFFFFE000  }
0x34: {  	[tilespmem:s1], [sflag:$0x1] =	stream.indirect.gather @!p0 [hbm4b:s0+s31], $0x40, s29, s31, $0xb8;
	[tilespmem:$0x1BF00] =	vst v63  }
0x35: {  	s18 =	sand.u32 $0x18000, s30;
	s30 =	simm.s32 $0x28000;
	_ =	swait.ge [sflag:s24], $0x2000  }
0x36: {  	s29 =	simm.s32 $0x280;
	s1 =	sshrl.u32 s18, $0x2;
	[sflag:s24] =	ssyncset.done $0x0  }
0x37: {  	s31 =	simm.s32 $0x2880;
	s1 =	sadd.s32 $0x4F00, s1;
	[sflag:s24] =	ssyncadd.s32 $0xFFFFE000  }
.LBB2_2:
0x38: {  	[spmem:s3] =	stream.indirect.scatter.add.f32 [tilespmem:s1], [sflag:$0x2], $0x40, s26, s16, $0xb8;
	[tilespmem:$0x1BF00] =	vst v63  }
0x39: {  	s26 =	smov.u32 s31  }
0x3a: {  	p1 =	sgt.u32 s28, $0x4B;
	s28 =	sadd.s32 $0x1, s28;
	_ =	swait.ge [sflag:s23], $0x2000  }
0x3b: {  	s1 =	sand.u32 @!p1 $0x18000, s30;
	p0 =	sne.s32 s28, $0x4F;
	[sflag:s23] =	ssyncset.done $0x0  }
0x3c: {  	s2 =	sadd.s32 $0xFFFE8000, s30;
	s1 =	sshrl.u32 @!p1 s1, $0x2;
	[sflag:s23] =	ssyncadd.s32 $0xFFFFE000  }
.Ltmp0:
0x3d: {  	s18 =	simm.s32 @!p1 $0x80;
	s1 =	sadd.s32 @!p1 $0x4F00, s1;
	(pc) =	sbr.rel @p0 .LBB2_2-.Ltmp0, $4  }
0x3e: {  	[tilespmem:s1], [sflag:$0x1] =	stream.indirect.gather @!p1 [hbm4b:s0+s18], $0x40, s29, s18, $0xb8;
	[tilespmem:$0x1BF00] =	vst v63  }
0x3f: {  	s1 =	sand.u32 $0x18000, s2;
	s29 =	sadd.s32 $0x80, s29;
	_ =	swait.ge [sflag:s24], $0x2000  }
0x40: {  	s30 =	sadd.s32 $0x8000, s30;
	s1 =	sshrl.u32 s1, $0x2;
	[sflag:s24] =	ssyncset.done $0x0  }
0x41: {  	s31 =	sadd.s32 $0x80, s31;
	s1 =	sadd.s32 $0x4F00, s1;
	[sflag:s24] =	ssyncadd.s32 $0xFFFFE000  }
0x42: {  	[spmem:s3] =	stream.indirect.scatter.add.f32 [tilespmem:s1], [sflag:$0x2], $0x40, s26, s16, $0xb8;
	[tilespmem:$0x1BF00] =	vst v63  }
0x43: {  	_ =	swait.ge [sflag:s23], $0x2000  }
0x44: {  	[sflag:s23] =	ssyncset.done $0x0  }
0x45: {  	[sflag:s23] =	ssyncadd.s32 $0xFFFFE000  }
0x46: {  	[bflag:$0x0] =	sbarrier.arrive $0xFFFF  }
0x47: {  	[tilespmem:s13], [sflag:$0x3] =	stream.linear.gather [spmem:s6], $0x5000, $0x38;
	[tilespmem:$0x1BF00] =	vst v63  }
0x48: {  	_ =	swait.ge [sflag:s14], $0x5000  }
0x49: {  	[sflag:s14] =	ssyncset.done $0x0  }
0x4a: {  	[sflag:s14] =	ssyncadd.s32 $0xFFFFB000  }
0x4b: {  	[hbm4b:s10+s4] =	stream.linear.scatter [tilespmem:s13], [sflag:$0x3], $0x5000, $0x38;
	[tilespmem:$0x1BF00] =	vst v63  }
0x4c: {  	_ =	swait.ge [sflag:s14], $0x5000  }
0x4d: {  	[sflag:s14] =	ssyncset.done $0x0  }
0x4e: {  	[sflag:s14] =	ssyncadd.s32 $0xFFFFB000  }
0x4f: {  	[tilespmem:s13], [sflag:$0x3] =	stream.linear.gather [spmem:s7], $0x5000, $0x38;
	[tilespmem:$0x1BF00] =	vst v63  }
0x50: {  	s25 =	sadd.s32 $0x1, s25;
	_ =	swait.ge [sflag:s14], $0x5000  }
0x51: {  	p0 =	sne.s32 s25, s12;
	[sflag:s14] =	ssyncset.done $0x0  }
.Ltmp1:
0x52: {  	[sflag:s14] =	ssyncadd.s32 $0xFFFFB000;
	(pc) =	sbr.rel @p0 .LBB2_1-.Ltmp1, $4  }
0x53: {  	[hbm4b:s11+s4] =	stream.linear.scatter [tilespmem:s13], [sflag:$0x3], $0x5000, $0x38;
	[tilespmem:$0x1BF00] =	vst v63  }
0x54: {  	_ =	swait.ge [sflag:s14], $0x5000  }
0x55: {  	[sflag:s14] =	ssyncset.done $0x0  }
0x56: {  	[sflag:s14] =	ssyncadd.s32 $0xFFFFB000  }
0x57: {  	_ =	sfence.sel $0x180000  }
0x58: {  	[bflag:$0x0] =	sbarrier.arrive $0xFFFF  }
0x59: {  	_ =	strace $0x9000004A  }
0x5a: {  	s0 =	stileid.u32;
	[bflag:$0x2] =	sbarrier.arrive $0xFFFF  }
0x5b: {  	p0 =	sne.s32 s0, $0x0;
	s0 =	rddreg [dreg:$0x3]  }
0x5c: {  	s0 =	sadd.s32 @!p0 $0x100000, s0  }
0x5d: {  	[sflag:s0] =	ssyncadd.tile.s32 @!p0 $0x1;
	_ =	shalt  }
.Lfunc_end2:
_tile_overlayer_lowered:
.L_overlay_start_2:
0x5e: {  	(tag) =	ssettag $0x2  }
0x5f: {  	s0 =	rddreg [dreg:$0x0];
	s2 =	stileid.u32  }
0x60: {  	s1 =	rddreg [dreg:$0x1];
	p0 =	sne.s32 s2, $0x0  }
0x61: {  	s3 =	rddreg [dreg:$0x2];
	[bflag:$0x3] =	sbarrier.arrive $0xFFFF;
	s2 =	simm.s32 @!p0 $0x1C03  }
0x62: {  	[timem:s3], [sflag:s2] =	dma.local @!p0 [hbm:s0], s1  }
0x63: {  	s0 =	simm.s32 @!p0 $0x3  }
0x64: {  	_ =	swait.ge @!p0 [sflag:s0], s1  }
0x65: {  	s1 =	ssub.s32 @!p0 $0x0, s1;
	[sflag:s0] =	ssyncset.done @!p0 $0x0  }
0x66: {  	[sflag:s0] =	ssyncadd.s32 @!p0 s1  }
0x67: {  	[bflag:$0x3] =	sbarrier.arrive $0xFFFF  }
0x68: {  	_ =	shalt  }

</sc_bundles>
